<compile_context>
chip_gen: v7x
topology: tpu7x:2x2x1
jax: 0.10.2.dev20260603
libtpu: 0.0.44.dev20260713+nightly
codegen_flags: <defaults>
</compile_context>

<pallas_src>
import functools

import jax
import jax.numpy as jnp
from jax import lax
from jax.experimental import pallas as pl
from jax.experimental.pallas import tpu as pltpu
from jax.experimental.pallas import tpu_sc as plsc

C_IN = 128
C_OUT = 128
HE = 160000
KW = 5

NC, NS = 2, 16
NW = NC * NS
CHUNK = 128
HE_PAD = 163840
EPW = HE_PAD // NW
NCH = EPW // CHUNK
NSLOT = 4
CH_FAST = 56
CH_SLOW = 2 * NCH - CH_FAST

E_BLK = 3200


def _p1_body(f_ref, w_ref, b_ref, y0_ref, z1_ref, z2_ref, z3_ref, z4_ref):
    f = f_ref[...]
    y0_ref[...] = lax.dot_general(
        w_ref[0], f, (((1,), (0,)), ((), ())),
        preferred_element_type=jnp.float32) + b_ref[...]
    for k, z_ref in ((1, z1_ref), (2, z2_ref), (3, z3_ref), (4, z4_ref)):
        z_ref[...] = lax.dot_general(
            f, w_ref[k], (((0,), (1,)), ((), ())),
            preferred_element_type=jnp.float32)


def _pass1(f2d, w, b2):
    zt_shape = jax.ShapeDtypeStruct((HE, C_OUT), jnp.float32)
    return pl.pallas_call(
        _p1_body,
        grid=(HE // E_BLK,),
        in_specs=[
            pl.BlockSpec((C_IN, E_BLK), lambda i: (0, i)),
            pl.BlockSpec((KW, C_OUT, C_IN), lambda i: (0, 0, 0)),
            pl.BlockSpec((C_OUT, 1), lambda i: (0, 0)),
        ],
        out_specs=[
            pl.BlockSpec((C_OUT, E_BLK), lambda i: (0, i)),
            pl.BlockSpec((E_BLK, C_OUT), lambda i: (i, 0)),
            pl.BlockSpec((E_BLK, C_OUT), lambda i: (i, 0)),
            pl.BlockSpec((E_BLK, C_OUT), lambda i: (i, 0)),
            pl.BlockSpec((E_BLK, C_OUT), lambda i: (i, 0)),
        ],
        out_shape=[jax.ShapeDtypeStruct((C_OUT, HE), jnp.float32),
                   zt_shape, zt_shape, zt_shape, zt_shape],
    )(f2d, w, b2)


def _sc_body(z1, z2, z3, z4, nbh4, s_out,
             i0, i1, i2, i3, acc0, acc1, acc2, acc3,
             sem0, sem1, sem2, sem3):
    cidx = lax.axis_index("c")
    sidx = lax.axis_index("s")
    pair_chunk = sidx * (2 * NCH)
    first = pair_chunk + jnp.where(cidx == 1, 0, CH_FAST)
    my_pairs = jnp.where(cidx == 1, CH_FAST // NSLOT, CH_SLOW // NSLOT)
    base = first * CHUNK
    zs = (z1, z2, z3, z4)
    idxs = (i0, i1, i2, i3)
    accs = (acc0, acc1, acc2, acc3)
    sems = (sem0, sem1, sem2, sem3)

    @pl.when(cidx == 1)
    def _():
        for k in range(4):
            pltpu.sync_copy(nbh4.at[k, pl.ds(first, CH_FAST)], idxs[k])

    @pl.when(cidx != 1)
    def _():
        for k in range(4):
            pltpu.sync_copy(nbh4.at[k, pl.ds(first, CH_SLOW)],
                            idxs[k].at[pl.ds(0, CH_SLOW)])

    def fire_k0(c, u):
        pltpu.make_async_copy(zs[0].at[idxs[0].at[c]], accs[u], sems[u]).start()

    def wait_k0(u):
        pltpu.make_async_copy(zs[0].at[idxs[0].at[0]], accs[u], sems[u]).wait()

    def fire_adds(c, u):
        for k in (1, 2, 3):
            pltpu.async_copy(zs[k].at[idxs[k].at[c]], accs[u], sems[u],
                             add=True)

    def wait_adds(u):
        for _ in range(3):
            pltpu.make_async_copy(zs[0].at[idxs[0].at[0]], accs[u],
                                  sems[u]).wait()

    def fire_store(c, u):
        off = base + c * CHUNK
        pltpu.make_async_copy(accs[u], s_out.at[pl.ds(off, CHUNK)],
                              sems[u]).start()

    def wait_store(u):
        pltpu.make_async_copy(accs[u], s_out.at[pl.ds(base, CHUNK)],
                              sems[u]).wait()

    def loop_body(p, _):
        for u in range(NSLOT):
            c = NSLOT * p + u
            @pl.when(p >= 1)
            def _():
                wait_store(u)
            fire_k0(c, u)
            up = (u + NSLOT - 1) % NSLOT
            if u == 0:
                @pl.when(p >= 1)
                def _():
                    wait_k0(up)
                    fire_adds(c - 1, up)
            else:
                wait_k0(up)
                fire_adds(c - 1, up)
            um = (u + NSLOT - 2) % NSLOT
            if u >= 2:
                wait_adds(um)
                fire_store(c - 2, um)
            else:
                @pl.when(p >= 1)
                def _():
                    wait_adds(um)
                    fire_store(c - 2, um)
        return 0

    lax.fori_loop(0, my_pairs, loop_body, 0)
    nloc = my_pairs * NSLOT
    wait_k0(NSLOT - 1)
    fire_adds(nloc - 1, NSLOT - 1)
    wait_adds(NSLOT - 2)
    fire_store(nloc - 2, NSLOT - 2)
    wait_adds(NSLOT - 1)
    fire_store(nloc - 1, NSLOT - 1)
    for u in range(NSLOT):
        wait_store(u)


_ACC = pltpu.VMEM((CHUNK, C_OUT), jnp.float32)
_sc_gather_sum = functools.partial(
    pl.kernel,
    out_type=jax.ShapeDtypeStruct((HE_PAD, C_OUT), jnp.float32),
    mesh=plsc.VectorSubcoreMesh(core_axis_name="c", subcore_axis_name="s"),
    compiler_params=pltpu.CompilerParams(use_tc_tiling_on_sc=True),
    scratch_types=[
        pltpu.VMEM((CH_FAST, CHUNK), jnp.int32),
        pltpu.VMEM((CH_FAST, CHUNK), jnp.int32),
        pltpu.VMEM((CH_FAST, CHUNK), jnp.int32),
        pltpu.VMEM((CH_FAST, CHUNK), jnp.int32),
        _ACC, _ACC, _ACC, _ACC,
        pltpu.SemaphoreType.DMA,
        pltpu.SemaphoreType.DMA,
        pltpu.SemaphoreType.DMA,
        pltpu.SemaphoreType.DMA,
    ],
)(_sc_body)


def _p3_body(y0_ref, s_ref, o_ref):
    o_ref[...] = y0_ref[...] + s_ref[...].T


def _pass3(y0, s):
    return pl.pallas_call(
        _p3_body,
        grid=(HE // E_BLK,),
        in_specs=[
            pl.BlockSpec((C_OUT, E_BLK), lambda i: (0, i)),
            pl.BlockSpec((E_BLK, C_OUT), lambda i: (i, 0)),
        ],
        out_specs=pl.BlockSpec((C_OUT, E_BLK), lambda i: (0, i)),
        out_shape=jax.ShapeDtypeStruct((C_OUT, HE), jnp.float32),
    )(y0, s)


def _p4_body(i_ref, o_ref):
    o_ref[...] = i_ref[...].reshape(8 * HE // 128, 128)


def _pass4(out2d):
    return pl.pallas_call(
        _p4_body,
        grid=(C_OUT // 8,),
        in_specs=[pl.BlockSpec((8, HE), lambda g: (g, 0))],
        out_specs=pl.BlockSpec((8 * HE // 128, 128), lambda g: (g, 0)),
        out_shape=jax.ShapeDtypeStruct((C_OUT * HE // 128, 128), jnp.float32),
    )(out2d)


def kernel(half_edge_features, neighborhoods, conv_w, conv_b):
    f2d = half_edge_features[0]
    w = jnp.transpose(conv_w[:, :, 0, :], (2, 0, 1))
    b2 = conv_b[:, None]

    y0, z1, z2, z3, z4 = _pass1(f2d, w, b2)

    nbh_t = jnp.transpose(neighborhoods[0])
    nbh4 = jnp.pad(nbh_t, ((0, 0), (0, HE_PAD - HE))).reshape(
        KW - 1, HE_PAD // CHUNK, CHUNK)

    s = _sc_gather_sum(z1, z2, z3, z4, nbh4)

    out = _pass3(y0, s)
    out_lin = _pass4(out)
    return out_lin.reshape(1, C_OUT, HE, 1)

# --- scband reference (transcript-rebuilt; emitter-appended) ---
"""Pipeline reference for scband-half-edge-mesh-conv-57303453663968 (READ-ONLY COPY).

The authoritative reference and input builder live on the scoring server;
editing this copy changes nothing except your own understanding.
"""

import jax, jax.numpy as jnp
import numpy as np

B, C_IN, C_OUT, HE, KW = 1, 128, 128, 160000, 5


def setup_inputs(seed: int = 0) -> dict:
    key = jax.random.key(seed)
    k1, k2, k3, k4 = jax.random.split(key, 4)
    half_edge_features = jax.random.normal(k1, (B, C_IN, HE), dtype=jnp.float32)
    # neighborhood ids in [0, HE); the original stores them per-mesh and later shifts by +1
    neighborhoods = jax.random.randint(k2, (B, HE, KW - 1), 0, HE, dtype=jnp.int32)
    fan_in = C_IN * KW
    conv_w = jax.random.normal(k3, (C_OUT, C_IN, 1, KW), dtype=jnp.float32) * (1.0 / np.sqrt(fan_in))
    conv_b = jax.random.normal(k4, (C_OUT,), dtype=jnp.float32) * 0.01
    return {
        "half_edge_features": half_edge_features,
        "neighborhoods": neighborhoods,
        "conv_w": conv_w,
        "conv_b": conv_b,
    }


def reference(half_edge_features, neighborhoods, conv_w, conv_b):
    B_, C_, HE_ = half_edge_features.shape
    K_ = neighborhoods.shape[2] + 1
    # prepend self half-edge id to each neighborhood (get_prepared_half_edge_neighborhoods_from_mesh)
    ids = jnp.broadcast_to(jnp.arange(HE_, dtype=neighborhoods.dtype)[None, :, None], (B_, HE_, 1))
    nbh = jnp.concatenate([ids, neighborhoods], axis=2)
    # __prepare_half_edge_indices: shift by +1 (index 0 = zero padding row) and add per-mesh offset
    nbh = nbh + 1
    offsets = (jnp.arange(B_, dtype=nbh.dtype) * (HE_ + 1))[:, None, None]
    idx = (nbh + offsets).reshape(-1)
    # __prepare_half_edge_features: prepend zero padding column, flatten to (B*(HE+1), C)
    pad = jnp.zeros((B_, C_, 1), dtype=half_edge_features.dtype)
    feats = jnp.concatenate([pad, half_edge_features], axis=2)
    feats2d = jnp.transpose(feats, (0, 2, 1)).reshape(B_ * (HE_ + 1), C_)
    # gather neighborhood features -> (B, C, HE, K)
    gathered = jnp.take(feats2d, idx, axis=0).reshape(B_, HE_, K_, C_)
    gathered = jnp.transpose(gathered, (0, 3, 1, 2))
    # Conv2d with kernel (1, kernel_width), VALID padding -> (B, C_out, HE, 1)
    out = jax.lax.conv_general_dilated(
        gathered, conv_w, window_strides=(1, 1), padding="VALID",
        dimension_numbers=("NCHW", "OIHW", "NCHW"),
    )
    out = out + conv_b[None, :, None, None]
    return out

if __name__ == "__main__":
    import jax
    _d = setup_inputs()
    print(jax.jit(kernel)(*tuple(_d.values())))

</pallas_src>

<mosaic_0001>
#map = affine_map<(d0, d1) -> (0, 0)>
#map1 = affine_map<(d0, d1) -> (0, 0, 0)>
module attributes {stable_mosaic.version = 14 : i64} {
  func.func @_sc_body(%arg0: i32, %arg1: i32, %arg2: memref<160000x128xf32, #tpu.memory_space<hbm>>, %arg3: memref<160000x128xf32, #tpu.memory_space<hbm>>, %arg4: memref<160000x128xf32, #tpu.memory_space<hbm>>, %arg5: memref<160000x128xf32, #tpu.memory_space<hbm>>, %arg6: memref<4x1280x128xi32, #tpu.memory_space<hbm>>, %arg7: memref<163840x128xf32, #tpu.memory_space<hbm>>, %arg8: memref<56x128xi32, #tpu.memory_space<vmem>>, %arg9: memref<56x128xi32, #tpu.memory_space<vmem>>, %arg10: memref<56x128xi32, #tpu.memory_space<vmem>>, %arg11: memref<56x128xi32, #tpu.memory_space<vmem>>, %arg12: memref<128x128xf32, #tpu.memory_space<vmem>>, %arg13: memref<128x128xf32, #tpu.memory_space<vmem>>, %arg14: memref<128x128xf32, #tpu.memory_space<vmem>>, %arg15: memref<128x128xf32, #tpu.memory_space<vmem>>, %arg16: memref<!tpu.dma_semaphore, #tpu.memory_space<semaphore_mem>>, %arg17: memref<!tpu.dma_semaphore, #tpu.memory_space<semaphore_mem>>, %arg18: memref<!tpu.dma_semaphore, #tpu.memory_space<semaphore_mem>>, %arg19: memref<!tpu.dma_semaphore, #tpu.memory_space<semaphore_mem>>) attributes {dimension_semantics = [#tpu.dimension_semantics<core_parallel>, #tpu.dimension_semantics<subcore_parallel>], iteration_bounds = array<i64: 2, 16>, scalar_prefetch = 0 : i64, scratch_operands = 12 : i64, tpu.core_type = #tpu.core_type<sc_vector_subcore>, window_params = [{transform_indices = #map}, {transform_indices = #map}, {transform_indices = #map}, {transform_indices = #map}, {transform_indices = #map1}, {transform_indices = #map}]} {
    %mul3A = arith.constant 80 : i32
    %mul3A_0 = arith.muli %arg1, %mul3A : i32
    %eq3A = arith.constant 1 : i32
    %eq3A_1 = arith.cmpi eq, %arg0, %eq3A : i32
    %jit3A = arith.constant 0 : i32
    %jit3A_2 = arith.constant 56 : i32
    %select_n3A = arith.select %eq3A_1, %jit3A, %jit3A_2 : i32
    %add3A = arith.addi %mul3A_0, %select_n3A : i32
    %eq3A_3 = arith.constant 1 : i32
    %eq3A_4 = arith.cmpi eq, %arg0, %eq3A_3 : i32
    %jit3A_5 = arith.constant 14 : i32
    %jit3A_6 = arith.constant 6 : i32
    %select_n3A_7 = arith.select %eq3A_4, %jit3A_5, %jit3A_6 : i32
    %mul3A_8 = arith.constant 128 : i32
    %mul3A_9 = arith.muli %add3A, %mul3A_8 : i32
    %eq3A_10 = arith.constant 1 : i32
    %eq3A_11 = arith.cmpi eq, %arg0, %eq3A_10 : i32
    %convert_element_type3A = arith.extui %eq3A_11 : i1 to i32
    %cond3A = arith.constant 0 : i32
    %cond3A_12 = arith.cmpi ne, %convert_element_type3A, %cond3A : i32
    scf.if %cond3A_12 {
      %run_scoped3A = arith.constant 0 : i32
      "tpu.region"() ({
        %run_scoped3A_133 = tpu.sem_alloc : memref<!tpu.dma_semaphore, #tpu.memory_space<semaphore_mem>>
        %dma_start3A_134 = arith.constant 0 : i32
        %dma_start3A_135 = tpu.memref_slice %arg6[%run_scoped3A, %add3A, %dma_start3A_134] : memref<4x1280x128xi32, #tpu.memory_space<hbm>> -> memref<1x56x128xi32, #tpu.memory_space<hbm>>
        %dma_start3A_136 = tpu.memref_squeeze %dma_start3A_135 : memref<1x56x128xi32, #tpu.memory_space<hbm>> -> memref<56x128xi32, #tpu.memory_space<hbm>>
        %dma_start3A_137 = arith.constant 0 : i32
        %dma_start3A_138 = tpu.memref_slice %arg6[%run_scoped3A, %add3A, %dma_start3A_137] : memref<4x1280x128xi32, #tpu.memory_space<hbm>> -> memref<1x56x128xi32, #tpu.memory_space<hbm>>
        %dma_start3A_139 = tpu.memref_squeeze %dma_start3A_138 : memref<1x56x128xi32, #tpu.memory_space<hbm>> -> memref<56x128xi32, #tpu.memory_space<hbm>>
        tpu.enqueue_dma source(%dma_start3A_139 : memref<56x128xi32, #tpu.memory_space<hbm>>) target(%arg8 : memref<56x128xi32, #tpu.memory_space<vmem>>) target_semaphore(%run_scoped3A_133 : memref<!tpu.dma_semaphore, #tpu.memory_space<semaphore_mem>>)
        %dma_wait3A_140 = arith.constant 0 : i32
        %dma_wait3A_141 = tpu.memref_slice %arg6[%run_scoped3A, %add3A, %dma_wait3A_140] : memref<4x1280x128xi32, #tpu.memory_space<hbm>> -> memref<1x56x128xi32, #tpu.memory_space<hbm>>
        %dma_wait3A_142 = tpu.memref_squeeze %dma_wait3A_141 : memref<1x56x128xi32, #tpu.memory_space<hbm>> -> memref<56x128xi32, #tpu.memory_space<hbm>>
        %dma_wait3A_143 = arith.constant 0 : i32
        %dma_wait3A_144 = tpu.memref_slice %arg6[%run_scoped3A, %add3A, %dma_wait3A_143] : memref<4x1280x128xi32, #tpu.memory_space<hbm>> -> memref<1x56x128xi32, #tpu.memory_space<hbm>>
        %dma_wait3A_145 = tpu.memref_squeeze %dma_wait3A_144 : memref<1x56x128xi32, #tpu.memory_space<hbm>> -> memref<56x128xi32, #tpu.memory_space<hbm>>
        tpu.wait_dma2 semaphore(%run_scoped3A_133 : memref<!tpu.dma_semaphore, #tpu.memory_space<semaphore_mem>>) src(%dma_wait3A_145 : memref<56x128xi32, #tpu.memory_space<hbm>>) dst(%arg8 : memref<56x128xi32, #tpu.memory_space<vmem>>)
        tpu.yield
      }) : () -> ()
      %run_scoped3A_130 = arith.constant 1 : i32
      "tpu.region"() ({
        %run_scoped3A_133 = tpu.sem_alloc : memref<!tpu.dma_semaphore, #tpu.memory_space<semaphore_mem>>
        %dma_start3A_134 = arith.constant 0 : i32
        %dma_start3A_135 = tpu.memref_slice %arg6[%run_scoped3A_130, %add3A, %dma_start3A_134] : memref<4x1280x128xi32, #tpu.memory_space<hbm>> -> memref<1x56x128xi32, #tpu.memory_space<hbm>>
        %dma_start3A_136 = tpu.memref_squeeze %dma_start3A_135 : memref<1x56x128xi32, #tpu.memory_space<hbm>> -> memref<56x128xi32, #tpu.memory_space<hbm>>
        %dma_start3A_137 = arith.constant 0 : i32
        %dma_start3A_138 = tpu.memref_slice %arg6[%run_scoped3A_130, %add3A, %dma_start3A_137] : memref<4x1280x128xi32, #tpu.memory_space<hbm>> -> memref<1x56x128xi32, #tpu.memory_space<hbm>>
        %dma_start3A_139 = tpu.memref_squeeze %dma_start3A_138 : memref<1x56x128xi32, #tpu.memory_space<hbm>> -> memref<56x128xi32, #tpu.memory_space<hbm>>
        tpu.enqueue_dma source(%dma_start3A_139 : memref<56x128xi32, #tpu.memory_space<hbm>>) target(%arg9 : memref<56x128xi32, #tpu.memory_space<vmem>>) target_semaphore(%run_scoped3A_133 : memref<!tpu.dma_semaphore, #tpu.memory_space<semaphore_mem>>)
        %dma_wait3A_140 = arith.constant 0 : i32
        %dma_wait3A_141 = tpu.memref_slice %arg6[%run_scoped3A_130, %add3A, %dma_wait3A_140] : memref<4x1280x128xi32, #tpu.memory_space<hbm>> -> memref<1x56x128xi32, #tpu.memory_space<hbm>>
        %dma_wait3A_142 = tpu.memref_squeeze %dma_wait3A_141 : memref<1x56x128xi32, #tpu.memory_space<hbm>> -> memref<56x128xi32, #tpu.memory_space<hbm>>
        %dma_wait3A_143 = arith.constant 0 : i32
        %dma_wait3A_144 = tpu.memref_slice %arg6[%run_scoped3A_130, %add3A, %dma_wait3A_143] : memref<4x1280x128xi32, #tpu.memory_space<hbm>> -> memref<1x56x128xi32, #tpu.memory_space<hbm>>
        %dma_wait3A_145 = tpu.memref_squeeze %dma_wait3A_144 : memref<1x56x128xi32, #tpu.memory_space<hbm>> -> memref<56x128xi32, #tpu.memory_space<hbm>>
        tpu.wait_dma2 semaphore(%run_scoped3A_133 : memref<!tpu.dma_semaphore, #tpu.memory_space<semaphore_mem>>) src(%dma_wait3A_145 : memref<56x128xi32, #tpu.memory_space<hbm>>) dst(%arg9 : memref<56x128xi32, #tpu.memory_space<vmem>>)
        tpu.yield
      }) : () -> ()
      %run_scoped3A_131 = arith.constant 2 : i32
      "tpu.region"() ({
        %run_scoped3A_133 = tpu.sem_alloc : memref<!tpu.dma_semaphore, #tpu.memory_space<semaphore_mem>>
        %dma_start3A_134 = arith.constant 0 : i32
        %dma_start3A_135 = tpu.memref_slice %arg6[%run_scoped3A_131, %add3A, %dma_start3A_134] : memref<4x1280x128xi32, #tpu.memory_space<hbm>> -> memref<1x56x128xi32, #tpu.memory_space<hbm>>
        %dma_start3A_136 = tpu.memref_squeeze %dma_start3A_135 : memref<1x56x128xi32, #tpu.memory_space<hbm>> -> memref<56x128xi32, #tpu.memory_space<hbm>>
        %dma_start3A_137 = arith.constant 0 : i32
        %dma_start3A_138 = tpu.memref_slice %arg6[%run_scoped3A_131, %add3A, %dma_start3A_137] : memref<4x1280x128xi32, #tpu.memory_space<hbm>> -> memref<1x56x128xi32, #tpu.memory_space<hbm>>
        %dma_start3A_139 = tpu.memref_squeeze %dma_start3A_138 : memref<1x56x128xi32, #tpu.memory_space<hbm>> -> memref<56x128xi32, #tpu.memory_space<hbm>>
        tpu.enqueue_dma source(%dma_start3A_139 : memref<56x128xi32, #tpu.memory_space<hbm>>) target(%arg10 : memref<56x128xi32, #tpu.memory_space<vmem>>) target_semaphore(%run_scoped3A_133 : memref<!tpu.dma_semaphore, #tpu.memory_space<semaphore_mem>>)
        %dma_wait3A_140 = arith.constant 0 : i32
        %dma_wait3A_141 = tpu.memref_slice %arg6[%run_scoped3A_131, %add3A, %dma_wait3A_140] : memref<4x1280x128xi32, #tpu.memory_space<hbm>> -> memref<1x56x128xi32, #tpu.memory_space<hbm>>
        %dma_wait3A_142 = tpu.memref_squeeze %dma_wait3A_141 : memref<1x56x128xi32, #tpu.memory_space<hbm>> -> memref<56x128xi32, #tpu.memory_space<hbm>>
        %dma_wait3A_143 = arith.constant 0 : i32
        %dma_wait3A_144 = tpu.memref_slice %arg6[%run_scoped3A_131, %add3A, %dma_wait3A_143] : memref<4x1280x128xi32, #tpu.memory_space<hbm>> -> memref<1x56x128xi32, #tpu.memory_space<hbm>>
        %dma_wait3A_145 = tpu.memref_squeeze %dma_wait3A_144 : memref<1x56x128xi32, #tpu.memory_space<hbm>> -> memref<56x128xi32, #tpu.memory_space<hbm>>
        tpu.wait_dma2 semaphore(%run_scoped3A_133 : memref<!tpu.dma_semaphore, #tpu.memory_space<semaphore_mem>>) src(%dma_wait3A_145 : memref<56x128xi32, #tpu.memory_space<hbm>>) dst(%arg10 : memref<56x128xi32, #tpu.memory_space<vmem>>)
        tpu.yield
      }) : () -> ()
      %run_scoped3A_132 = arith.constant 3 : i32
      "tpu.region"() ({
        %run_scoped3A_133 = tpu.sem_alloc : memref<!tpu.dma_semaphore, #tpu.memory_space<semaphore_mem>>
        %dma_start3A_134 = arith.constant 0 : i32
        %dma_start3A_135 = tpu.memref_slice %arg6[%run_scoped3A_132, %add3A, %dma_start3A_134] : memref<4x1280x128xi32, #tpu.memory_space<hbm>> -> memref<1x56x128xi32, #tpu.memory_space<hbm>>
        %dma_start3A_136 = tpu.memref_squeeze %dma_start3A_135 : memref<1x56x128xi32, #tpu.memory_space<hbm>> -> memref<56x128xi32, #tpu.memory_space<hbm>>
        %dma_start3A_137 = arith.constant 0 : i32
        %dma_start3A_138 = tpu.memref_slice %arg6[%run_scoped3A_132, %add3A, %dma_start3A_137] : memref<4x1280x128xi32, #tpu.memory_space<hbm>> -> memref<1x56x128xi32, #tpu.memory_space<hbm>>
        %dma_start3A_139 = tpu.memref_squeeze %dma_start3A_138 : memref<1x56x128xi32, #tpu.memory_space<hbm>> -> memref<56x128xi32, #tpu.memory_space<hbm>>
        tpu.enqueue_dma source(%dma_start3A_139 : memref<56x128xi32, #tpu.memory_space<hbm>>) target(%arg11 : memref<56x128xi32, #tpu.memory_space<vmem>>) target_semaphore(%run_scoped3A_133 : memref<!tpu.dma_semaphore, #tpu.memory_space<semaphore_mem>>)
        %dma_wait3A_140 = arith.constant 0 : i32
        %dma_wait3A_141 = tpu.memref_slice %arg6[%run_scoped3A_132, %add3A, %dma_wait3A_140] : memref<4x1280x128xi32, #tpu.memory_space<hbm>> -> memref<1x56x128xi32, #tpu.memory_space<hbm>>
        %dma_wait3A_142 = tpu.memref_squeeze %dma_wait3A_141 : memref<1x56x128xi32, #tpu.memory_space<hbm>> -> memref<56x128xi32, #tpu.memory_space<hbm>>
        %dma_wait3A_143 = arith.constant 0 : i32
        %dma_wait3A_144 = tpu.memref_slice %arg6[%run_scoped3A_132, %add3A, %dma_wait3A_143] : memref<4x1280x128xi32, #tpu.memory_space<hbm>> -> memref<1x56x128xi32, #tpu.memory_space<hbm>>
        %dma_wait3A_145 = tpu.memref_squeeze %dma_wait3A_144 : memref<1x56x128xi32, #tpu.memory_space<hbm>> -> memref<56x128xi32, #tpu.memory_space<hbm>>
        tpu.wait_dma2 semaphore(%run_scoped3A_133 : memref<!tpu.dma_semaphore, #tpu.memory_space<semaphore_mem>>) src(%dma_wait3A_145 : memref<56x128xi32, #tpu.memory_space<hbm>>) dst(%arg11 : memref<56x128xi32, #tpu.memory_space<vmem>>)
        tpu.yield
      }) : () -> ()
    } else {
    }
    %ne3A = arith.constant 1 : i32
    %ne3A_13 = arith.cmpi ne, %arg0, %ne3A : i32
    %convert_element_type3A_14 = arith.extui %ne3A_13 : i1 to i32
    %cond3A_15 = arith.constant 0 : i32
    %cond3A_16 = arith.cmpi ne, %convert_element_type3A_14, %cond3A_15 : i32
    scf.if %cond3A_16 {
      %run_scoped3A = arith.constant 0 : i32
      "tpu.region"() ({
        %run_scoped3A_133 = tpu.sem_alloc : memref<!tpu.dma_semaphore, #tpu.memory_space<semaphore_mem>>
        %dma_start3A_134 = arith.constant 0 : i32
        %dma_start3A_135 = arith.constant 0 : i32
        %dma_start3A_136 = tpu.memref_slice %arg8[%dma_start3A_134, %dma_start3A_135] : memref<56x128xi32, #tpu.memory_space<vmem>> -> memref<24x128xi32, #tpu.memory_space<vmem>>
        %dma_start3A_137 = arith.constant 0 : i32
        %dma_start3A_138 = tpu.memref_slice %arg6[%run_scoped3A, %add3A, %dma_start3A_137] : memref<4x1280x128xi32, #tpu.memory_space<hbm>> -> memref<1x24x128xi32, #tpu.memory_space<hbm>>
        %dma_start3A_139 = tpu.memref_squeeze %dma_start3A_138 : memref<1x24x128xi32, #tpu.memory_space<hbm>> -> memref<24x128xi32, #tpu.memory_space<hbm>>
        %dma_start3A_140 = arith.constant 0 : i32
        %dma_start3A_141 = arith.constant 0 : i32
        %dma_start3A_142 = tpu.memref_slice %arg8[%dma_start3A_140, %dma_start3A_141] : memref<56x128xi32, #tpu.memory_space<vmem>> -> memref<24x128xi32, #tpu.memory_space<vmem>>
        %dma_start3A_143 = arith.constant 0 : i32
        %dma_start3A_144 = tpu.memref_slice %arg6[%run_scoped3A, %add3A, %dma_start3A_143] : memref<4x1280x128xi32, #tpu.memory_space<hbm>> -> memref<1x24x128xi32, #tpu.memory_space<hbm>>
        %dma_start3A_145 = tpu.memref_squeeze %dma_start3A_144 : memref<1x24x128xi32, #tpu.memory_space<hbm>> -> memref<24x128xi32, #tpu.memory_space<hbm>>
        tpu.enqueue_dma source(%dma_start3A_145 : memref<24x128xi32, #tpu.memory_space<hbm>>) target(%dma_start3A_142 : memref<24x128xi32, #tpu.memory_space<vmem>>) target_semaphore(%run_scoped3A_133 : memref<!tpu.dma_semaphore, #tpu.memory_space<semaphore_mem>>)
        %dma_wait3A_146 = arith.constant 0 : i32
        %dma_wait3A_147 = arith.constant 0 : i32
        %dma_wait3A_148 = tpu.memref_slice %arg8[%dma_wait3A_146, %dma_wait3A_147] : memref<56x128xi32, #tpu.memory_space<vmem>> -> memref<24x128xi32, #tpu.memory_space<vmem>>
        %dma_wait3A_149 = arith.constant 0 : i32
        %dma_wait3A_150 = tpu.memref_slice %arg6[%run_scoped3A, %add3A, %dma_wait3A_149] : memref<4x1280x128xi32, #tpu.memory_space<hbm>> -> memref<1x24x128xi32, #tpu.memory_space<hbm>>
        %dma_wait3A_151 = tpu.memref_squeeze %dma_wait3A_150 : memref<1x24x128xi32, #tpu.memory_space<hbm>> -> memref<24x128xi32, #tpu.memory_space<hbm>>
        %dma_wait3A_152 = arith.constant 0 : i32
        %dma_wait3A_153 = arith.constant 0 : i32
        %dma_wait3A_154 = tpu.memref_slice %arg8[%dma_wait3A_152, %dma_wait3A_153] : memref<56x128xi32, #tpu.memory_space<vmem>> -> memref<24x128xi32, #tpu.memory_space<vmem>>
        %dma_wait3A_155 = arith.constant 0 : i32
        %dma_wait3A_156 = tpu.memref_slice %arg6[%run_scoped3A, %add3A, %dma_wait3A_155] : memref<4x1280x128xi32, #tpu.memory_space<hbm>> -> memref<1x24x128xi32, #tpu.memory_space<hbm>>
        %dma_wait3A_157 = tpu.memref_squeeze %dma_wait3A_156 : memref<1x24x128xi32, #tpu.memory_space<hbm>> -> memref<24x128xi32, #tpu.memory_space<hbm>>
        tpu.wait_dma2 semaphore(%run_scoped3A_133 : memref<!tpu.dma_semaphore, #tpu.memory_space<semaphore_mem>>) src(%dma_wait3A_157 : memref<24x128xi32, #tpu.memory_space<hbm>>) dst(%dma_wait3A_154 : memref<24x128xi32, #tpu.memory_space<vmem>>)
        tpu.yield
      }) : () -> ()
      %run_scoped3A_130 = arith.constant 1 : i32
      "tpu.region"() ({
        %run_scoped3A_133 = tpu.sem_alloc : memref<!tpu.dma_semaphore, #tpu.memory_space<semaphore_mem>>
        %dma_start3A_134 = arith.constant 0 : i32
        %dma_start3A_135 = arith.constant 0 : i32
        %dma_start3A_136 = tpu.memref_slice %arg9[%dma_start3A_134, %dma_start3A_135] : memref<56x128xi32, #tpu.memory_space<vmem>> -> memref<24x128xi32, #tpu.memory_space<vmem>>
        %dma_start3A_137 = arith.constant 0 : i32
        %dma_start3A_138 = tpu.memref_slice %arg6[%run_scoped3A_130, %add3A, %dma_start3A_137] : memref<4x1280x128xi32, #tpu.memory_space<hbm>> -> memref<1x24x128xi32, #tpu.memory_space<hbm>>
        %dma_start3A_139 = tpu.memref_squeeze %dma_start3A_138 : memref<1x24x128xi32, #tpu.memory_space<hbm>> -> memref<24x128xi32, #tpu.memory_space<hbm>>
        %dma_start3A_140 = arith.constant 0 : i32
        %dma_start3A_141 = arith.constant 0 : i32
        %dma_start3A_142 = tpu.memref_slice %arg9[%dma_start3A_140, %dma_start3A_141] : memref<56x128xi32, #tpu.memory_space<vmem>> -> memref<24x128xi32, #tpu.memory_space<vmem>>
        %dma_start3A_143 = arith.constant 0 : i32
        %dma_start3A_144 = tpu.memref_slice %arg6[%run_scoped3A_130, %add3A, %dma_start3A_143] : memref<4x1280x128xi32, #tpu.memory_space<hbm>> -> memref<1x24x128xi32, #tpu.memory_space<hbm>>
        %dma_start3A_145 = tpu.memref_squeeze %dma_start3A_144 : memref<1x24x128xi32, #tpu.memory_space<hbm>> -> memref<24x128xi32, #tpu.memory_space<hbm>>
        tpu.enqueue_dma source(%dma_start3A_145 : memref<24x128xi32, #tpu.memory_space<hbm>>) target(%dma_start3A_142 : memref<24x128xi32, #tpu.memory_space<vmem>>) target_semaphore(%run_scoped3A_133 : memref<!tpu.dma_semaphore, #tpu.memory_space<semaphore_mem>>)
        %dma_wait3A_146 = arith.constant 0 : i32
        %dma_wait3A_147 = arith.constant 0 : i32
        %dma_wait3A_148 = tpu.memref_slice %arg9[%dma_wait3A_146, %dma_wait3A_147] : memref<56x128xi32, #tpu.memory_space<vmem>> -> memref<24x128xi32, #tpu.memory_space<vmem>>
        %dma_wait3A_149 = arith.constant 0 : i32
        %dma_wait3A_150 = tpu.memref_slice %arg6[%run_scoped3A_130, %add3A, %dma_wait3A_149] : memref<4x1280x128xi32, #tpu.memory_space<hbm>> -> memref<1x24x128xi32, #tpu.memory_space<hbm>>
        %dma_wait3A_151 = tpu.memref_squeeze %dma_wait3A_150 : memref<1x24x128xi32, #tpu.memory_space<hbm>> -> memref<24x128xi32, #tpu.memory_space<hbm>>
        %dma_wait3A_152 = arith.constant 0 : i32
        %dma_wait3A_153 = arith.constant 0 : i32
        %dma_wait3A_154 = tpu.memref_slice %arg9[%dma_wait3A_152, %dma_wait3A_153] : memref<56x128xi32, #tpu.memory_space<vmem>> -> memref<24x128xi32, #tpu.memory_space<vmem>>
        %dma_wait3A_155 = arith.constant 0 : i32
        %dma_wait3A_156 = tpu.memref_slice %arg6[%run_scoped3A_130, %add3A, %dma_wait3A_155] : memref<4x1280x128xi32, #tpu.memory_space<hbm>> -> memref<1x24x128xi32, #tpu.memory_space<hbm>>
        %dma_wait3A_157 = tpu.memref_squeeze %dma_wait3A_156 : memref<1x24x128xi32, #tpu.memory_space<hbm>> -> memref<24x128xi32, #tpu.memory_space<hbm>>
        tpu.wait_dma2 semaphore(%run_scoped3A_133 : memref<!tpu.dma_semaphore, #tpu.memory_space<semaphore_mem>>) src(%dma_wait3A_157 : memref<24x128xi32, #tpu.memory_space<hbm>>) dst(%dma_wait3A_154 : memref<24x128xi32, #tpu.memory_space<vmem>>)
        tpu.yield
      }) : () -> ()
      %run_scoped3A_131 = arith.constant 2 : i32
      "tpu.region"() ({
        %run_scoped3A_133 = tpu.sem_alloc : memref<!tpu.dma_semaphore, #tpu.memory_space<semaphore_mem>>
        %dma_start3A_134 = arith.constant 0 : i32
        %dma_start3A_135 = arith.constant 0 : i32
        %dma_start3A_136 = tpu.memref_slice %arg10[%dma_start3A_134, %dma_start3A_135] : memref<56x128xi32, #tpu.memory_space<vmem>> -> memref<24x128xi32, #tpu.memory_space<vmem>>
        %dma_start3A_137 = arith.constant 0 : i32
        %dma_start3A_138 = tpu.memref_slice %arg6[%run_scoped3A_131, %add3A, %dma_start3A_137] : memref<4x1280x128xi32, #tpu.memory_space<hbm>> -> memref<1x24x128xi32, #tpu.memory_space<hbm>>
        %dma_start3A_139 = tpu.memref_squeeze %dma_start3A_138 : memref<1x24x128xi32, #tpu.memory_space<hbm>> -> memref<24x128xi32, #tpu.memory_space<hbm>>
        %dma_start3A_140 = arith.constant 0 : i32
        %dma_start3A_141 = arith.constant 0 : i32
        %dma_start3A_142 = tpu.memref_slice %arg10[%dma_start3A_140, %dma_start3A_141] : memref<56x128xi32, #tpu.memory_space<vmem>> -> memref<24x128xi32, #tpu.memory_space<vmem>>
        %dma_start3A_143 = arith.constant 0 : i32
        %dma_start3A_144 = tpu.memref_slice %arg6[%run_scoped3A_131, %add3A, %dma_start3A_143] : memref<4x1280x128xi32, #tpu.memory_space<hbm>> -> memref<1x24x128xi32, #tpu.memory_space<hbm>>
        %dma_start3A_145 = tpu.memref_squeeze %dma_start3A_144 : memref<1x24x128xi32, #tpu.memory_space<hbm>> -> memref<24x128xi32, #tpu.memory_space<hbm>>
        tpu.enqueue_dma source(%dma_start3A_145 : memref<24x128xi32, #tpu.memory_space<hbm>>) target(%dma_start3A_142 : memref<24x128xi32, #tpu.memory_space<vmem>>) target_semaphore(%run_scoped3A_133 : memref<!tpu.dma_semaphore, #tpu.memory_space<semaphore_mem>>)
        %dma_wait3A_146 = arith.constant 0 : i32
        %dma_wait3A_147 = arith.constant 0 : i32
        %dma_wait3A_148 = tpu.memref_slice %arg10[%dma_wait3A_146, %dma_wait3A_147] : memref<56x128xi32, #tpu.memory_space<vmem>> -> memref<24x128xi32, #tpu.memory_space<vmem>>
        %dma_wait3A_149 = arith.constant 0 : i32
        %dma_wait3A_150 = tpu.memref_slice %arg6[%run_scoped3A_131, %add3A, %dma_wait3A_149] : memref<4x1280x128xi32, #tpu.memory_space<hbm>> -> memref<1x24x128xi32, #tpu.memory_space<hbm>>
        %dma_wait3A_151 = tpu.memref_squeeze %dma_wait3A_150 : memref<1x24x128xi32, #tpu.memory_space<hbm>> -> memref<24x128xi32, #tpu.memory_space<hbm>>
        %dma_wait3A_152 = arith.constant 0 : i32
        %dma_wait3A_153 = arith.constant 0 : i32
        %dma_wait3A_154 = tpu.memref_slice %arg10[%dma_wait3A_152, %dma_wait3A_153] : memref<56x128xi32, #tpu.memory_space<vmem>> -> memref<24x128xi32, #tpu.memory_space<vmem>>
        %dma_wait3A_155 = arith.constant 0 : i32
        %dma_wait3A_156 = tpu.memref_slice %arg6[%run_scoped3A_131, %add3A, %dma_wait3A_155] : memref<4x1280x128xi32, #tpu.memory_space<hbm>> -> memref<1x24x128xi32, #tpu.memory_space<hbm>>
        %dma_wait3A_157 = tpu.memref_squeeze %dma_wait3A_156 : memref<1x24x128xi32, #tpu.memory_space<hbm>> -> memref<24x128xi32, #tpu.memory_space<hbm>>
        tpu.wait_dma2 semaphore(%run_scoped3A_133 : memref<!tpu.dma_semaphore, #tpu.memory_space<semaphore_mem>>) src(%dma_wait3A_157 : memref<24x128xi32, #tpu.memory_space<hbm>>) dst(%dma_wait3A_154 : memref<24x128xi32, #tpu.memory_space<vmem>>)
        tpu.yield
      }) : () -> ()
      %run_scoped3A_132 = arith.constant 3 : i32
      "tpu.region"() ({
        %run_scoped3A_133 = tpu.sem_alloc : memref<!tpu.dma_semaphore, #tpu.memory_space<semaphore_mem>>
        %dma_start3A_134 = arith.constant 0 : i32
        %dma_start3A_135 = arith.constant 0 : i32
        %dma_start3A_136 = tpu.memref_slice %arg11[%dma_start3A_134, %dma_start3A_135] : memref<56x128xi32, #tpu.memory_space<vmem>> -> memref<24x128xi32, #tpu.memory_space<vmem>>
        %dma_start3A_137 = arith.constant 0 : i32
        %dma_start3A_138 = tpu.memref_slice %arg6[%run_scoped3A_132, %add3A, %dma_start3A_137] : memref<4x1280x128xi32, #tpu.memory_space<hbm>> -> memref<1x24x128xi32, #tpu.memory_space<hbm>>
        %dma_start3A_139 = tpu.memref_squeeze %dma_start3A_138 : memref<1x24x128xi32, #tpu.memory_space<hbm>> -> memref<24x128xi32, #tpu.memory_space<hbm>>
        %dma_start3A_140 = arith.constant 0 : i32
        %dma_start3A_141 = arith.constant 0 : i32
        %dma_start3A_142 = tpu.memref_slice %arg11[%dma_start3A_140, %dma_start3A_141] : memref<56x128xi32, #tpu.memory_space<vmem>> -> memref<24x128xi32, #tpu.memory_space<vmem>>
        %dma_start3A_143 = arith.constant 0 : i32
        %dma_start3A_144 = tpu.memref_slice %arg6[%run_scoped3A_132, %add3A, %dma_start3A_143] : memref<4x1280x128xi32, #tpu.memory_space<hbm>> -> memref<1x24x128xi32, #tpu.memory_space<hbm>>
        %dma_start3A_145 = tpu.memref_squeeze %dma_start3A_144 : memref<1x24x128xi32, #tpu.memory_space<hbm>> -> memref<24x128xi32, #tpu.memory_space<hbm>>
        tpu.enqueue_dma source(%dma_start3A_145 : memref<24x128xi32, #tpu.memory_space<hbm>>) target(%dma_start3A_142 : memref<24x128xi32, #tpu.memory_space<vmem>>) target_semaphore(%run_scoped3A_133 : memref<!tpu.dma_semaphore, #tpu.memory_space<semaphore_mem>>)
        %dma_wait3A_146 = arith.constant 0 : i32
        %dma_wait3A_147 = arith.constant 0 : i32
        %dma_wait3A_148 = tpu.memref_slice %arg11[%dma_wait3A_146, %dma_wait3A_147] : memref<56x128xi32, #tpu.memory_space<vmem>> -> memref<24x128xi32, #tpu.memory_space<vmem>>
        %dma_wait3A_149 = arith.constant 0 : i32
        %dma_wait3A_150 = tpu.memref_slice %arg6[%run_scoped3A_132, %add3A, %dma_wait3A_149] : memref<4x1280x128xi32, #tpu.memory_space<hbm>> -> memref<1x24x128xi32, #tpu.memory_space<hbm>>
        %dma_wait3A_151 = tpu.memref_squeeze %dma_wait3A_150 : memref<1x24x128xi32, #tpu.memory_space<hbm>> -> memref<24x128xi32, #tpu.memory_space<hbm>>
        %dma_wait3A_152 = arith.constant 0 : i32
        %dma_wait3A_153 = arith.constant 0 : i32
        %dma_wait3A_154 = tpu.memref_slice %arg11[%dma_wait3A_152, %dma_wait3A_153] : memref<56x128xi32, #tpu.memory_space<vmem>> -> memref<24x128xi32, #tpu.memory_space<vmem>>
        %dma_wait3A_155 = arith.constant 0 : i32
        %dma_wait3A_156 = tpu.memref_slice %arg6[%run_scoped3A_132, %add3A, %dma_wait3A_155] : memref<4x1280x128xi32, #tpu.memory_space<hbm>> -> memref<1x24x128xi32, #tpu.memory_space<hbm>>
        %dma_wait3A_157 = tpu.memref_squeeze %dma_wait3A_156 : memref<1x24x128xi32, #tpu.memory_space<hbm>> -> memref<24x128xi32, #tpu.memory_space<hbm>>
        tpu.wait_dma2 semaphore(%run_scoped3A_133 : memref<!tpu.dma_semaphore, #tpu.memory_space<semaphore_mem>>) src(%dma_wait3A_157 : memref<24x128xi32, #tpu.memory_space<hbm>>) dst(%dma_wait3A_154 : memref<24x128xi32, #tpu.memory_space<vmem>>)
        tpu.yield
      }) : () -> ()
    } else {
    }
    %while3A = arith.constant 0 : i32
    %while3A_17 = arith.constant 0 : i32
    %while3A_18 = arith.subi %select_n3A_7, %while3A : i32
    %while3A_19 = arith.addi %while3A, %while3A_18 : i32
    %while3A_20 = arith.constant 1 : i32
    %while3A_21 = arith.divsi %while3A_18, %while3A_20 : i32
    %while3A_22 = arith.muli %while3A_21, %while3A_20 : i32
    %while3A_23 = arith.addi %while3A, %while3A_22 : i32
    %while3A_24 = arith.constant 1 : i32
    %while3A_25 = scf.for %while3A_130 = %while3A to %while3A_23 step %while3A_24 iter_args(%while3A_131 = %while3A_17) -> (i32)  : i32 {
      %mul3A_132 = arith.constant 4 : i32
      %mul3A_133 = arith.muli %mul3A_132, %while3A_130 : i32
      %add3A_134 = arith.constant 0 : i32
      %add3A_135 = arith.addi %mul3A_133, %add3A_134 : i32
      %ge3A = arith.constant 1 : i32
      %ge3A_136 = arith.cmpi sge, %while3A_130, %ge3A : i32
      %convert_element_type3A_137 = arith.extui %ge3A_136 : i1 to i32
      %cond3A_138 = arith.constant 0 : i32
      %cond3A_139 = arith.cmpi ne, %convert_element_type3A_137, %cond3A_138 : i32
      scf.if %cond3A_139 {
        %dma_wait3A_348 = arith.constant 0 : i32
        %dma_wait3A_349 = tpu.memref_slice %arg7[%mul3A_9, %dma_wait3A_348] : memref<163840x128xf32, #tpu.memory_space<hbm>> -> memref<128x128xf32, #tpu.memory_space<hbm>>
        %dma_wait3A_350 = arith.constant 0 : i32
        %dma_wait3A_351 = tpu.memref_slice %arg7[%mul3A_9, %dma_wait3A_350] : memref<163840x128xf32, #tpu.memory_space<hbm>> -> memref<128x128xf32, #tpu.memory_space<hbm>>
        tpu.wait_dma2 semaphore(%arg16 : memref<!tpu.dma_semaphore, #tpu.memory_space<semaphore_mem>>) src(%arg12 : memref<128x128xf32, #tpu.memory_space<vmem>>) dst(%dma_wait3A_351 : memref<128x128xf32, #tpu.memory_space<hbm>>)
      } else {
      }
      %dma_start3A_140 = arith.constant 0 : i32
      %dma_start3A_141 = tpu.memref_slice %arg8[%add3A_135, %dma_start3A_140] : memref<56x128xi32, #tpu.memory_space<vmem>> -> memref<1x128xi32, #tpu.memory_space<vmem>>
      %dma_start3A_142 = tpu.memref_squeeze %dma_start3A_141 : memref<1x128xi32, #tpu.memory_space<vmem>> -> memref<128xi32, #tpu.memory_space<vmem>>
      %dma_start3A_143 = arith.constant 0 : i32
      %dma_start3A_144 = arith.constant 0 : i32
      %dma_start3A_145 = tpu.memref_slice %arg2[%dma_start3A_143, %dma_start3A_144] : memref<160000x128xf32, #tpu.memory_space<hbm>> -> memref<160000x128xf32, #tpu.memory_space<hbm>>
      tpu.enqueue_indirect_dma source(%dma_start3A_145 : memref<160000x128xf32, #tpu.memory_space<hbm>>) target(%arg12 : memref<128x128xf32, #tpu.memory_space<vmem>>) offsets(%dma_start3A_142 : memref<128xi32, #tpu.memory_space<vmem>>) semaphore(%arg16 : memref<!tpu.dma_semaphore, #tpu.memory_space<semaphore_mem>>)
      %ge3A_146 = arith.constant 1 : i32
      %ge3A_147 = arith.cmpi sge, %while3A_130, %ge3A_146 : i32
      %convert_element_type3A_148 = arith.extui %ge3A_147 : i1 to i32
      %cond3A_149 = arith.constant 0 : i32
      %cond3A_150 = arith.cmpi ne, %convert_element_type3A_148, %cond3A_149 : i32
      scf.if %cond3A_150 {
        %dma_wait3A_348 = arith.constant 0 : i32
        %dma_wait3A_349 = arith.constant 0 : i32
        %dma_wait3A_350 = tpu.memref_slice %arg8[%dma_wait3A_348, %dma_wait3A_349] : memref<56x128xi32, #tpu.memory_space<vmem>> -> memref<1x128xi32, #tpu.memory_space<vmem>>
        %dma_wait3A_351 = tpu.memref_squeeze %dma_wait3A_350 : memref<1x128xi32, #tpu.memory_space<vmem>> -> memref<128xi32, #tpu.memory_space<vmem>>
        %dma_wait3A_352 = arith.constant 0 : i32
        %dma_wait3A_353 = arith.constant 0 : i32
        %dma_wait3A_354 = tpu.memref_slice %arg2[%dma_wait3A_352, %dma_wait3A_353] : memref<160000x128xf32, #tpu.memory_space<hbm>> -> memref<160000x128xf32, #tpu.memory_space<hbm>>
        tpu.wait_indirect_dma semaphore(%arg19 : memref<!tpu.dma_semaphore, #tpu.memory_space<semaphore_mem>>) src(%dma_wait3A_354 : memref<160000x128xf32, #tpu.memory_space<hbm>>) dst(%arg15 : memref<128x128xf32, #tpu.memory_space<vmem>>)
        %sub3A_355 = arith.constant 1 : i32
        %sub3A_356 = arith.subi %add3A_135, %sub3A_355 : i32
        %dma_start3A_357 = arith.constant 0 : i32
        %dma_start3A_358 = tpu.memref_slice %arg9[%sub3A_356, %dma_start3A_357] : memref<56x128xi32, #tpu.memory_space<vmem>> -> memref<1x128xi32, #tpu.memory_space<vmem>>
        %dma_start3A_359 = tpu.memref_squeeze %dma_start3A_358 : memref<1x128xi32, #tpu.memory_space<vmem>> -> memref<128xi32, #tpu.memory_space<vmem>>
        %dma_start3A_360 = arith.constant 0 : i32
        %dma_start3A_361 = arith.constant 0 : i32
        %dma_start3A_362 = tpu.memref_slice %arg3[%dma_start3A_360, %dma_start3A_361] : memref<160000x128xf32, #tpu.memory_space<hbm>> -> memref<160000x128xf32, #tpu.memory_space<hbm>>
        tpu.enqueue_indirect_dma source(%dma_start3A_362 : memref<160000x128xf32, #tpu.memory_space<hbm>>) target(%arg15 : memref<128x128xf32, #tpu.memory_space<vmem>>) offsets(%dma_start3A_359 : memref<128xi32, #tpu.memory_space<vmem>>) semaphore(%arg19 : memref<!tpu.dma_semaphore, #tpu.memory_space<semaphore_mem>>) {add = true}
        %dma_start3A_363 = arith.constant 0 : i32
        %dma_start3A_364 = tpu.memref_slice %arg10[%sub3A_356, %dma_start3A_363] : memref<56x128xi32, #tpu.memory_space<vmem>> -> memref<1x128xi32, #tpu.memory_space<vmem>>
        %dma_start3A_365 = tpu.memref_squeeze %dma_start3A_364 : memref<1x128xi32, #tpu.memory_space<vmem>> -> memref<128xi32, #tpu.memory_space<vmem>>
        %dma_start3A_366 = arith.constant 0 : i32
        %dma_start3A_367 = arith.constant 0 : i32
        %dma_start3A_368 = tpu.memref_slice %arg4[%dma_start3A_366, %dma_start3A_367] : memref<160000x128xf32, #tpu.memory_space<hbm>> -> memref<160000x128xf32, #tpu.memory_space<hbm>>
        tpu.enqueue_indirect_dma source(%dma_start3A_368 : memref<160000x128xf32, #tpu.memory_space<hbm>>) target(%arg15 : memref<128x128xf32, #tpu.memory_space<vmem>>) offsets(%dma_start3A_365 : memref<128xi32, #tpu.memory_space<vmem>>) semaphore(%arg19 : memref<!tpu.dma_semaphore, #tpu.memory_space<semaphore_mem>>) {add = true}
        %dma_start3A_369 = arith.constant 0 : i32
        %dma_start3A_370 = tpu.memref_slice %arg11[%sub3A_356, %dma_start3A_369] : memref<56x128xi32, #tpu.memory_space<vmem>> -> memref<1x128xi32, #tpu.memory_space<vmem>>
        %dma_start3A_371 = tpu.memref_squeeze %dma_start3A_370 : memref<1x128xi32, #tpu.memory_space<vmem>> -> memref<128xi32, #tpu.memory_space<vmem>>
        %dma_start3A_372 = arith.constant 0 : i32
        %dma_start3A_373 = arith.constant 0 : i32
        %dma_start3A_374 = tpu.memref_slice %arg5[%dma_start3A_372, %dma_start3A_373] : memref<160000x128xf32, #tpu.memory_space<hbm>> -> memref<160000x128xf32, #tpu.memory_space<hbm>>
        tpu.enqueue_indirect_dma source(%dma_start3A_374 : memref<160000x128xf32, #tpu.memory_space<hbm>>) target(%arg15 : memref<128x128xf32, #tpu.memory_space<vmem>>) offsets(%dma_start3A_371 : memref<128xi32, #tpu.memory_space<vmem>>) semaphore(%arg19 : memref<!tpu.dma_semaphore, #tpu.memory_space<semaphore_mem>>) {add = true}
      } else {
      }
      %ge3A_151 = arith.constant 1 : i32
      %ge3A_152 = arith.cmpi sge, %while3A_130, %ge3A_151 : i32
      %convert_element_type3A_153 = arith.extui %ge3A_152 : i1 to i32
      %cond3A_154 = arith.constant 0 : i32
      %cond3A_155 = arith.cmpi ne, %convert_element_type3A_153, %cond3A_154 : i32
      scf.if %cond3A_155 {
        %dma_wait3A_348 = arith.constant 0 : i32
        %dma_wait3A_349 = arith.constant 0 : i32
        %dma_wait3A_350 = tpu.memref_slice %arg8[%dma_wait3A_348, %dma_wait3A_349] : memref<56x128xi32, #tpu.memory_space<vmem>> -> memref<1x128xi32, #tpu.memory_space<vmem>>
        %dma_wait3A_351 = tpu.memref_squeeze %dma_wait3A_350 : memref<1x128xi32, #tpu.memory_space<vmem>> -> memref<128xi32, #tpu.memory_space<vmem>>
        %dma_wait3A_352 = arith.constant 0 : i32
        %dma_wait3A_353 = arith.constant 0 : i32
        %dma_wait3A_354 = tpu.memref_slice %arg2[%dma_wait3A_352, %dma_wait3A_353] : memref<160000x128xf32, #tpu.memory_space<hbm>> -> memref<160000x128xf32, #tpu.memory_space<hbm>>
        tpu.wait_indirect_dma semaphore(%arg18 : memref<!tpu.dma_semaphore, #tpu.memory_space<semaphore_mem>>) src(%dma_wait3A_354 : memref<160000x128xf32, #tpu.memory_space<hbm>>) dst(%arg14 : memref<128x128xf32, #tpu.memory_space<vmem>>)
        %dma_wait3A_355 = arith.constant 0 : i32
        %dma_wait3A_356 = arith.constant 0 : i32
        %dma_wait3A_357 = tpu.memref_slice %arg8[%dma_wait3A_355, %dma_wait3A_356] : memref<56x128xi32, #tpu.memory_space<vmem>> -> memref<1x128xi32, #tpu.memory_space<vmem>>
        %dma_wait3A_358 = tpu.memref_squeeze %dma_wait3A_357 : memref<1x128xi32, #tpu.memory_space<vmem>> -> memref<128xi32, #tpu.memory_space<vmem>>
        %dma_wait3A_359 = arith.constant 0 : i32
        %dma_wait3A_360 = arith.constant 0 : i32
        %dma_wait3A_361 = tpu.memref_slice %arg2[%dma_wait3A_359, %dma_wait3A_360] : memref<160000x128xf32, #tpu.memory_space<hbm>> -> memref<160000x128xf32, #tpu.memory_space<hbm>>
        tpu.wait_indirect_dma semaphore(%arg18 : memref<!tpu.dma_semaphore, #tpu.memory_space<semaphore_mem>>) src(%dma_wait3A_361 : memref<160000x128xf32, #tpu.memory_space<hbm>>) dst(%arg14 : memref<128x128xf32, #tpu.memory_space<vmem>>)
        %dma_wait3A_362 = arith.constant 0 : i32
        %dma_wait3A_363 = arith.constant 0 : i32
        %dma_wait3A_364 = tpu.memref_slice %arg8[%dma_wait3A_362, %dma_wait3A_363] : memref<56x128xi32, #tpu.memory_space<vmem>> -> memref<1x128xi32, #tpu.memory_space<vmem>>
        %dma_wait3A_365 = tpu.memref_squeeze %dma_wait3A_364 : memref<1x128xi32, #tpu.memory_space<vmem>> -> memref<128xi32, #tpu.memory_space<vmem>>
        %dma_wait3A_366 = arith.constant 0 : i32
        %dma_wait3A_367 = arith.constant 0 : i32
        %dma_wait3A_368 = tpu.memref_slice %arg2[%dma_wait3A_366, %dma_wait3A_367] : memref<160000x128xf32, #tpu.memory_space<hbm>> -> memref<160000x128xf32, #tpu.memory_space<hbm>>
        tpu.wait_indirect_dma semaphore(%arg18 : memref<!tpu.dma_semaphore, #tpu.memory_space<semaphore_mem>>) src(%dma_wait3A_368 : memref<160000x128xf32, #tpu.memory_space<hbm>>) dst(%arg14 : memref<128x128xf32, #tpu.memory_space<vmem>>)
        %sub3A_369 = arith.constant 2 : i32
        %sub3A_370 = arith.subi %add3A_135, %sub3A_369 : i32
        %mul3A_371 = arith.constant 128 : i32
        %mul3A_372 = arith.muli %sub3A_370, %mul3A_371 : i32
        %add3A_373 = arith.addi %mul3A_9, %mul3A_372 : i32
        %dma_start3A_374 = arith.constant 0 : i32
        %dma_start3A_375 = tpu.memref_slice %arg7[%add3A_373, %dma_start3A_374] : memref<163840x128xf32, #tpu.memory_space<hbm>> -> memref<128x128xf32, #tpu.memory_space<hbm>>
        %dma_start3A_376 = arith.constant 0 : i32
        %dma_start3A_377 = tpu.memref_slice %arg7[%add3A_373, %dma_start3A_376] : memref<163840x128xf32, #tpu.memory_space<hbm>> -> memref<128x128xf32, #tpu.memory_space<hbm>>
        tpu.enqueue_dma source(%arg14 : memref<128x128xf32, #tpu.memory_space<vmem>>) target(%dma_start3A_377 : memref<128x128xf32, #tpu.memory_space<hbm>>) target_semaphore(%arg18 : memref<!tpu.dma_semaphore, #tpu.memory_space<semaphore_mem>>)
      } else {
      }
      %mul3A_156 = arith.constant 4 : i32
      %mul3A_157 = arith.muli %mul3A_156, %while3A_130 : i32
      %add3A_158 = arith.constant 1 : i32
      %add3A_159 = arith.addi %mul3A_157, %add3A_158 : i32
      %ge3A_160 = arith.constant 1 : i32
      %ge3A_161 = arith.cmpi sge, %while3A_130, %ge3A_160 : i32
      %convert_element_type3A_162 = arith.extui %ge3A_161 : i1 to i32
      %cond3A_163 = arith.constant 0 : i32
      %cond3A_164 = arith.cmpi ne, %convert_element_type3A_162, %cond3A_163 : i32
      scf.if %cond3A_164 {
        %dma_wait3A_348 = arith.constant 0 : i32
        %dma_wait3A_349 = tpu.memref_slice %arg7[%mul3A_9, %dma_wait3A_348] : memref<163840x128xf32, #tpu.memory_space<hbm>> -> memref<128x128xf32, #tpu.memory_space<hbm>>
        %dma_wait3A_350 = arith.constant 0 : i32
        %dma_wait3A_351 = tpu.memref_slice %arg7[%mul3A_9, %dma_wait3A_350] : memref<163840x128xf32, #tpu.memory_space<hbm>> -> memref<128x128xf32, #tpu.memory_space<hbm>>
        tpu.wait_dma2 semaphore(%arg17 : memref<!tpu.dma_semaphore, #tpu.memory_space<semaphore_mem>>) src(%arg13 : memref<128x128xf32, #tpu.memory_space<vmem>>) dst(%dma_wait3A_351 : memref<128x128xf32, #tpu.memory_space<hbm>>)
      } else {
      }
      %dma_start3A_165 = arith.constant 0 : i32
      %dma_start3A_166 = tpu.memref_slice %arg8[%add3A_159, %dma_start3A_165] : memref<56x128xi32, #tpu.memory_space<vmem>> -> memref<1x128xi32, #tpu.memory_space<vmem>>
      %dma_start3A_167 = tpu.memref_squeeze %dma_start3A_166 : memref<1x128xi32, #tpu.memory_space<vmem>> -> memref<128xi32, #tpu.memory_space<vmem>>
      %dma_start3A_168 = arith.constant 0 : i32
      %dma_start3A_169 = arith.constant 0 : i32
      %dma_start3A_170 = tpu.memref_slice %arg2[%dma_start3A_168, %dma_start3A_169] : memref<160000x128xf32, #tpu.memory_space<hbm>> -> memref<160000x128xf32, #tpu.memory_space<hbm>>
      tpu.enqueue_indirect_dma source(%dma_start3A_170 : memref<160000x128xf32, #tpu.memory_space<hbm>>) target(%arg13 : memref<128x128xf32, #tpu.memory_space<vmem>>) offsets(%dma_start3A_167 : memref<128xi32, #tpu.memory_space<vmem>>) semaphore(%arg17 : memref<!tpu.dma_semaphore, #tpu.memory_space<semaphore_mem>>)
      %dma_wait3A_171 = arith.constant 0 : i32
      %dma_wait3A_172 = arith.constant 0 : i32
      %dma_wait3A_173 = tpu.memref_slice %arg8[%dma_wait3A_171, %dma_wait3A_172] : memref<56x128xi32, #tpu.memory_space<vmem>> -> memref<1x128xi32, #tpu.memory_space<vmem>>
      %dma_wait3A_174 = tpu.memref_squeeze %dma_wait3A_173 : memref<1x128xi32, #tpu.memory_space<vmem>> -> memref<128xi32, #tpu.memory_space<vmem>>
      %dma_wait3A_175 = arith.constant 0 : i32
      %dma_wait3A_176 = arith.constant 0 : i32
      %dma_wait3A_177 = tpu.memref_slice %arg2[%dma_wait3A_175, %dma_wait3A_176] : memref<160000x128xf32, #tpu.memory_space<hbm>> -> memref<160000x128xf32, #tpu.memory_space<hbm>>
      tpu.wait_indirect_dma semaphore(%arg16 : memref<!tpu.dma_semaphore, #tpu.memory_space<semaphore_mem>>) src(%dma_wait3A_177 : memref<160000x128xf32, #tpu.memory_space<hbm>>) dst(%arg12 : memref<128x128xf32, #tpu.memory_space<vmem>>)
      %sub3A_178 = arith.constant 1 : i32
      %sub3A_179 = arith.subi %add3A_159, %sub3A_178 : i32
      %dma_start3A_180 = arith.constant 0 : i32
      %dma_start3A_181 = tpu.memref_slice %arg9[%sub3A_179, %dma_start3A_180] : memref<56x128xi32, #tpu.memory_space<vmem>> -> memref<1x128xi32, #tpu.memory_space<vmem>>
      %dma_start3A_182 = tpu.memref_squeeze %dma_start3A_181 : memref<1x128xi32, #tpu.memory_space<vmem>> -> memref<128xi32, #tpu.memory_space<vmem>>
      %dma_start3A_183 = arith.constant 0 : i32
      %dma_start3A_184 = arith.constant 0 : i32
      %dma_start3A_185 = tpu.memref_slice %arg3[%dma_start3A_183, %dma_start3A_184] : memref<160000x128xf32, #tpu.memory_space<hbm>> -> memref<160000x128xf32, #tpu.memory_space<hbm>>
      tpu.enqueue_indirect_dma source(%dma_start3A_185 : memref<160000x128xf32, #tpu.memory_space<hbm>>) target(%arg12 : memref<128x128xf32, #tpu.memory_space<vmem>>) offsets(%dma_start3A_182 : memref<128xi32, #tpu.memory_space<vmem>>) semaphore(%arg16 : memref<!tpu.dma_semaphore, #tpu.memory_space<semaphore_mem>>) {add = true}
      %dma_start3A_186 = arith.constant 0 : i32
      %dma_start3A_187 = tpu.memref_slice %arg10[%sub3A_179, %dma_start3A_186] : memref<56x128xi32, #tpu.memory_space<vmem>> -> memref<1x128xi32, #tpu.memory_space<vmem>>
      %dma_start3A_188 = tpu.memref_squeeze %dma_start3A_187 : memref<1x128xi32, #tpu.memory_space<vmem>> -> memref<128xi32, #tpu.memory_space<vmem>>
      %dma_start3A_189 = arith.constant 0 : i32
      %dma_start3A_190 = arith.constant 0 : i32
      %dma_start3A_191 = tpu.memref_slice %arg4[%dma_start3A_189, %dma_start3A_190] : memref<160000x128xf32, #tpu.memory_space<hbm>> -> memref<160000x128xf32, #tpu.memory_space<hbm>>
      tpu.enqueue_indirect_dma source(%dma_start3A_191 : memref<160000x128xf32, #tpu.memory_space<hbm>>) target(%arg12 : memref<128x128xf32, #tpu.memory_space<vmem>>) offsets(%dma_start3A_188 : memref<128xi32, #tpu.memory_space<vmem>>) semaphore(%arg16 : memref<!tpu.dma_semaphore, #tpu.memory_space<semaphore_mem>>) {add = true}
      %dma_start3A_192 = arith.constant 0 : i32
      %dma_start3A_193 = tpu.memref_slice %arg11[%sub3A_179, %dma_start3A_192] : memref<56x128xi32, #tpu.memory_space<vmem>> -> memref<1x128xi32, #tpu.memory_space<vmem>>
      %dma_start3A_194 = tpu.memref_squeeze %dma_start3A_193 : memref<1x128xi32, #tpu.memory_space<vmem>> -> memref<128xi32, #tpu.memory_space<vmem>>
      %dma_start3A_195 = arith.constant 0 : i32
      %dma_start3A_196 = arith.constant 0 : i32
      %dma_start3A_197 = tpu.memref_slice %arg5[%dma_start3A_195, %dma_start3A_196] : memref<160000x128xf32, #tpu.memory_space<hbm>> -> memref<160000x128xf32, #tpu.memory_space<hbm>>
      tpu.enqueue_indirect_dma source(%dma_start3A_197 : memref<160000x128xf32, #tpu.memory_space<hbm>>) target(%arg12 : memref<128x128xf32, #tpu.memory_space<vmem>>) offsets(%dma_start3A_194 : memref<128xi32, #tpu.memory_space<vmem>>) semaphore(%arg16 : memref<!tpu.dma_semaphore, #tpu.memory_space<semaphore_mem>>) {add = true}
      %ge3A_198 = arith.constant 1 : i32
      %ge3A_199 = arith.cmpi sge, %while3A_130, %ge3A_198 : i32
      %convert_element_type3A_200 = arith.extui %ge3A_199 : i1 to i32
      %cond3A_201 = arith.constant 0 : i32
      %cond3A_202 = arith.cmpi ne, %convert_element_type3A_200, %cond3A_201 : i32
      scf.if %cond3A_202 {
        %dma_wait3A_348 = arith.constant 0 : i32
        %dma_wait3A_349 = arith.constant 0 : i32
        %dma_wait3A_350 = tpu.memref_slice %arg8[%dma_wait3A_348, %dma_wait3A_349] : memref<56x128xi32, #tpu.memory_space<vmem>> -> memref<1x128xi32, #tpu.memory_space<vmem>>
        %dma_wait3A_351 = tpu.memref_squeeze %dma_wait3A_350 : memref<1x128xi32, #tpu.memory_space<vmem>> -> memref<128xi32, #tpu.memory_space<vmem>>
        %dma_wait3A_352 = arith.constant 0 : i32
        %dma_wait3A_353 = arith.constant 0 : i32
        %dma_wait3A_354 = tpu.memref_slice %arg2[%dma_wait3A_352, %dma_wait3A_353] : memref<160000x128xf32, #tpu.memory_space<hbm>> -> memref<160000x128xf32, #tpu.memory_space<hbm>>
        tpu.wait_indirect_dma semaphore(%arg19 : memref<!tpu.dma_semaphore, #tpu.memory_space<semaphore_mem>>) src(%dma_wait3A_354 : memref<160000x128xf32, #tpu.memory_space<hbm>>) dst(%arg15 : memref<128x128xf32, #tpu.memory_space<vmem>>)
        %dma_wait3A_355 = arith.constant 0 : i32
        %dma_wait3A_356 = arith.constant 0 : i32
        %dma_wait3A_357 = tpu.memref_slice %arg8[%dma_wait3A_355, %dma_wait3A_356] : memref<56x128xi32, #tpu.memory_space<vmem>> -> memref<1x128xi32, #tpu.memory_space<vmem>>
        %dma_wait3A_358 = tpu.memref_squeeze %dma_wait3A_357 : memref<1x128xi32, #tpu.memory_space<vmem>> -> memref<128xi32, #tpu.memory_space<vmem>>
        %dma_wait3A_359 = arith.constant 0 : i32
        %dma_wait3A_360 = arith.constant 0 : i32
        %dma_wait3A_361 = tpu.memref_slice %arg2[%dma_wait3A_359, %dma_wait3A_360] : memref<160000x128xf32, #tpu.memory_space<hbm>> -> memref<160000x128xf32, #tpu.memory_space<hbm>>
        tpu.wait_indirect_dma semaphore(%arg19 : memref<!tpu.dma_semaphore, #tpu.memory_space<semaphore_mem>>) src(%dma_wait3A_361 : memref<160000x128xf32, #tpu.memory_space<hbm>>) dst(%arg15 : memref<128x128xf32, #tpu.memory_space<vmem>>)
        %dma_wait3A_362 = arith.constant 0 : i32
        %dma_wait3A_363 = arith.constant 0 : i32
        %dma_wait3A_364 = tpu.memref_slice %arg8[%dma_wait3A_362, %dma_wait3A_363] : memref<56x128xi32, #tpu.memory_space<vmem>> -> memref<1x128xi32, #tpu.memory_space<vmem>>
        %dma_wait3A_365 = tpu.memref_squeeze %dma_wait3A_364 : memref<1x128xi32, #tpu.memory_space<vmem>> -> memref<128xi32, #tpu.memory_space<vmem>>
        %dma_wait3A_366 = arith.constant 0 : i32
        %dma_wait3A_367 = arith.constant 0 : i32
        %dma_wait3A_368 = tpu.memref_slice %arg2[%dma_wait3A_366, %dma_wait3A_367] : memref<160000x128xf32, #tpu.memory_space<hbm>> -> memref<160000x128xf32, #tpu.memory_space<hbm>>
        tpu.wait_indirect_dma semaphore(%arg19 : memref<!tpu.dma_semaphore, #tpu.memory_space<semaphore_mem>>) src(%dma_wait3A_368 : memref<160000x128xf32, #tpu.memory_space<hbm>>) dst(%arg15 : memref<128x128xf32, #tpu.memory_space<vmem>>)
        %sub3A_369 = arith.constant 2 : i32
        %sub3A_370 = arith.subi %add3A_159, %sub3A_369 : i32
        %mul3A_371 = arith.constant 128 : i32
        %mul3A_372 = arith.muli %sub3A_370, %mul3A_371 : i32
        %add3A_373 = arith.addi %mul3A_9, %mul3A_372 : i32
        %dma_start3A_374 = arith.constant 0 : i32
        %dma_start3A_375 = tpu.memref_slice %arg7[%add3A_373, %dma_start3A_374] : memref<163840x128xf32, #tpu.memory_space<hbm>> -> memref<128x128xf32, #tpu.memory_space<hbm>>
        %dma_start3A_376 = arith.constant 0 : i32
        %dma_start3A_377 = tpu.memref_slice %arg7[%add3A_373, %dma_start3A_376] : memref<163840x128xf32, #tpu.memory_space<hbm>> -> memref<128x128xf32, #tpu.memory_space<hbm>>
        tpu.enqueue_dma source(%arg15 : memref<128x128xf32, #tpu.memory_space<vmem>>) target(%dma_start3A_377 : memref<128x128xf32, #tpu.memory_space<hbm>>) target_semaphore(%arg19 : memref<!tpu.dma_semaphore, #tpu.memory_space<semaphore_mem>>)
      } else {
      }
      %mul3A_203 = arith.constant 4 : i32
      %mul3A_204 = arith.muli %mul3A_203, %while3A_130 : i32
      %add3A_205 = arith.constant 2 : i32
      %add3A_206 = arith.addi %mul3A_204, %add3A_205 : i32
      %ge3A_207 = arith.constant 1 : i32
      %ge3A_208 = arith.cmpi sge, %while3A_130, %ge3A_207 : i32
      %convert_element_type3A_209 = arith.extui %ge3A_208 : i1 to i32
      %cond3A_210 = arith.constant 0 : i32
      %cond3A_211 = arith.cmpi ne, %convert_element_type3A_209, %cond3A_210 : i32
      scf.if %cond3A_211 {
        %dma_wait3A_348 = arith.constant 0 : i32
        %dma_wait3A_349 = tpu.memref_slice %arg7[%mul3A_9, %dma_wait3A_348] : memref<163840x128xf32, #tpu.memory_space<hbm>> -> memref<128x128xf32, #tpu.memory_space<hbm>>
        %dma_wait3A_350 = arith.constant 0 : i32
        %dma_wait3A_351 = tpu.memref_slice %arg7[%mul3A_9, %dma_wait3A_350] : memref<163840x128xf32, #tpu.memory_space<hbm>> -> memref<128x128xf32, #tpu.memory_space<hbm>>
        tpu.wait_dma2 semaphore(%arg18 : memref<!tpu.dma_semaphore, #tpu.memory_space<semaphore_mem>>) src(%arg14 : memref<128x128xf32, #tpu.memory_space<vmem>>) dst(%dma_wait3A_351 : memref<128x128xf32, #tpu.memory_space<hbm>>)
      } else {
      }
      %dma_start3A_212 = arith.constant 0 : i32
      %dma_start3A_213 = tpu.memref_slice %arg8[%add3A_206, %dma_start3A_212] : memref<56x128xi32, #tpu.memory_space<vmem>> -> memref<1x128xi32, #tpu.memory_space<vmem>>
      %dma_start3A_214 = tpu.memref_squeeze %dma_start3A_213 : memref<1x128xi32, #tpu.memory_space<vmem>> -> memref<128xi32, #tpu.memory_space<vmem>>
      %dma_start3A_215 = arith.constant 0 : i32
      %dma_start3A_216 = arith.constant 0 : i32
      %dma_start3A_217 = tpu.memref_slice %arg2[%dma_start3A_215, %dma_start3A_216] : memref<160000x128xf32, #tpu.memory_space<hbm>> -> memref<160000x128xf32, #tpu.memory_space<hbm>>
      tpu.enqueue_indirect_dma source(%dma_start3A_217 : memref<160000x128xf32, #tpu.memory_space<hbm>>) target(%arg14 : memref<128x128xf32, #tpu.memory_space<vmem>>) offsets(%dma_start3A_214 : memref<128xi32, #tpu.memory_space<vmem>>) semaphore(%arg18 : memref<!tpu.dma_semaphore, #tpu.memory_space<semaphore_mem>>)
      %dma_wait3A_218 = arith.constant 0 : i32
      %dma_wait3A_219 = arith.constant 0 : i32
      %dma_wait3A_220 = tpu.memref_slice %arg8[%dma_wait3A_218, %dma_wait3A_219] : memref<56x128xi32, #tpu.memory_space<vmem>> -> memref<1x128xi32, #tpu.memory_space<vmem>>
      %dma_wait3A_221 = tpu.memref_squeeze %dma_wait3A_220 : memref<1x128xi32, #tpu.memory_space<vmem>> -> memref<128xi32, #tpu.memory_space<vmem>>
      %dma_wait3A_222 = arith.constant 0 : i32
      %dma_wait3A_223 = arith.constant 0 : i32
      %dma_wait3A_224 = tpu.memref_slice %arg2[%dma_wait3A_222, %dma_wait3A_223] : memref<160000x128xf32, #tpu.memory_space<hbm>> -> memref<160000x128xf32, #tpu.memory_space<hbm>>
      tpu.wait_indirect_dma semaphore(%arg17 : memref<!tpu.dma_semaphore, #tpu.memory_space<semaphore_mem>>) src(%dma_wait3A_224 : memref<160000x128xf32, #tpu.memory_space<hbm>>) dst(%arg13 : memref<128x128xf32, #tpu.memory_space<vmem>>)
      %sub3A_225 = arith.constant 1 : i32
      %sub3A_226 = arith.subi %add3A_206, %sub3A_225 : i32
      %dma_start3A_227 = arith.constant 0 : i32
      %dma_start3A_228 = tpu.memref_slice %arg9[%sub3A_226, %dma_start3A_227] : memref<56x128xi32, #tpu.memory_space<vmem>> -> memref<1x128xi32, #tpu.memory_space<vmem>>
      %dma_start3A_229 = tpu.memref_squeeze %dma_start3A_228 : memref<1x128xi32, #tpu.memory_space<vmem>> -> memref<128xi32, #tpu.memory_space<vmem>>
      %dma_start3A_230 = arith.constant 0 : i32
      %dma_start3A_231 = arith.constant 0 : i32
      %dma_start3A_232 = tpu.memref_slice %arg3[%dma_start3A_230, %dma_start3A_231] : memref<160000x128xf32, #tpu.memory_space<hbm>> -> memref<160000x128xf32, #tpu.memory_space<hbm>>
      tpu.enqueue_indirect_dma source(%dma_start3A_232 : memref<160000x128xf32, #tpu.memory_space<hbm>>) target(%arg13 : memref<128x128xf32, #tpu.memory_space<vmem>>) offsets(%dma_start3A_229 : memref<128xi32, #tpu.memory_space<vmem>>) semaphore(%arg17 : memref<!tpu.dma_semaphore, #tpu.memory_space<semaphore_mem>>) {add = true}
      %dma_start3A_233 = arith.constant 0 : i32
      %dma_start3A_234 = tpu.memref_slice %arg10[%sub3A_226, %dma_start3A_233] : memref<56x128xi32, #tpu.memory_space<vmem>> -> memref<1x128xi32, #tpu.memory_space<vmem>>
      %dma_start3A_235 = tpu.memref_squeeze %dma_start3A_234 : memref<1x128xi32, #tpu.memory_space<vmem>> -> memref<128xi32, #tpu.memory_space<vmem>>
      %dma_start3A_236 = arith.constant 0 : i32
      %dma_start3A_237 = arith.constant 0 : i32
      %dma_start3A_238 = tpu.memref_slice %arg4[%dma_start3A_236, %dma_start3A_237] : memref<160000x128xf32, #tpu.memory_space<hbm>> -> memref<160000x128xf32, #tpu.memory_space<hbm>>
      tpu.enqueue_indirect_dma source(%dma_start3A_238 : memref<160000x128xf32, #tpu.memory_space<hbm>>) target(%arg13 : memref<128x128xf32, #tpu.memory_space<vmem>>) offsets(%dma_start3A_235 : memref<128xi32, #tpu.memory_space<vmem>>) semaphore(%arg17 : memref<!tpu.dma_semaphore, #tpu.memory_space<semaphore_mem>>) {add = true}
      %dma_start3A_239 = arith.constant 0 : i32
      %dma_start3A_240 = tpu.memref_slice %arg11[%sub3A_226, %dma_start3A_239] : memref<56x128xi32, #tpu.memory_space<vmem>> -> memref<1x128xi32, #tpu.memory_space<vmem>>
      %dma_start3A_241 = tpu.memref_squeeze %dma_start3A_240 : memref<1x128xi32, #tpu.memory_space<vmem>> -> memref<128xi32, #tpu.memory_space<vmem>>
      %dma_start3A_242 = arith.constant 0 : i32
      %dma_start3A_243 = arith.constant 0 : i32
      %dma_start3A_244 = tpu.memref_slice %arg5[%dma_start3A_242, %dma_start3A_243] : memref<160000x128xf32, #tpu.memory_space<hbm>> -> memref<160000x128xf32, #tpu.memory_space<hbm>>
      tpu.enqueue_indirect_dma source(%dma_start3A_244 : memref<160000x128xf32, #tpu.memory_space<hbm>>) target(%arg13 : memref<128x128xf32, #tpu.memory_space<vmem>>) offsets(%dma_start3A_241 : memref<128xi32, #tpu.memory_space<vmem>>) semaphore(%arg17 : memref<!tpu.dma_semaphore, #tpu.memory_space<semaphore_mem>>) {add = true}
      %dma_wait3A_245 = arith.constant 0 : i32
      %dma_wait3A_246 = arith.constant 0 : i32
      %dma_wait3A_247 = tpu.memref_slice %arg8[%dma_wait3A_245, %dma_wait3A_246] : memref<56x128xi32, #tpu.memory_space<vmem>> -> memref<1x128xi32, #tpu.memory_space<vmem>>
      %dma_wait3A_248 = tpu.memref_squeeze %dma_wait3A_247 : memref<1x128xi32, #tpu.memory_space<vmem>> -> memref<128xi32, #tpu.memory_space<vmem>>
      %dma_wait3A_249 = arith.constant 0 : i32
      %dma_wait3A_250 = arith.constant 0 : i32
      %dma_wait3A_251 = tpu.memref_slice %arg2[%dma_wait3A_249, %dma_wait3A_250] : memref<160000x128xf32, #tpu.memory_space<hbm>> -> memref<160000x128xf32, #tpu.memory_space<hbm>>
      tpu.wait_indirect_dma semaphore(%arg16 : memref<!tpu.dma_semaphore, #tpu.memory_space<semaphore_mem>>) src(%dma_wait3A_251 : memref<160000x128xf32, #tpu.memory_space<hbm>>) dst(%arg12 : memref<128x128xf32, #tpu.memory_space<vmem>>)
      %dma_wait3A_252 = arith.constant 0 : i32
      %dma_wait3A_253 = arith.constant 0 : i32
      %dma_wait3A_254 = tpu.memref_slice %arg8[%dma_wait3A_252, %dma_wait3A_253] : memref<56x128xi32, #tpu.memory_space<vmem>> -> memref<1x128xi32, #tpu.memory_space<vmem>>
      %dma_wait3A_255 = tpu.memref_squeeze %dma_wait3A_254 : memref<1x128xi32, #tpu.memory_space<vmem>> -> memref<128xi32, #tpu.memory_space<vmem>>
      %dma_wait3A_256 = arith.constant 0 : i32
      %dma_wait3A_257 = arith.constant 0 : i32
      %dma_wait3A_258 = tpu.memref_slice %arg2[%dma_wait3A_256, %dma_wait3A_257] : memref<160000x128xf32, #tpu.memory_space<hbm>> -> memref<160000x128xf32, #tpu.memory_space<hbm>>
      tpu.wait_indirect_dma semaphore(%arg16 : memref<!tpu.dma_semaphore, #tpu.memory_space<semaphore_mem>>) src(%dma_wait3A_258 : memref<160000x128xf32, #tpu.memory_space<hbm>>) dst(%arg12 : memref<128x128xf32, #tpu.memory_space<vmem>>)
      %dma_wait3A_259 = arith.constant 0 : i32
      %dma_wait3A_260 = arith.constant 0 : i32
      %dma_wait3A_261 = tpu.memref_slice %arg8[%dma_wait3A_259, %dma_wait3A_260] : memref<56x128xi32, #tpu.memory_space<vmem>> -> memref<1x128xi32, #tpu.memory_space<vmem>>
      %dma_wait3A_262 = tpu.memref_squeeze %dma_wait3A_261 : memref<1x128xi32, #tpu.memory_space<vmem>> -> memref<128xi32, #tpu.memory_space<vmem>>
      %dma_wait3A_263 = arith.constant 0 : i32
      %dma_wait3A_264 = arith.constant 0 : i32
      %dma_wait3A_265 = tpu.memref_slice %arg2[%dma_wait3A_263, %dma_wait3A_264] : memref<160000x128xf32, #tpu.memory_space<hbm>> -> memref<160000x128xf32, #tpu.memory_space<hbm>>
      tpu.wait_indirect_dma semaphore(%arg16 : memref<!tpu.dma_semaphore, #tpu.memory_space<semaphore_mem>>) src(%dma_wait3A_265 : memref<160000x128xf32, #tpu.memory_space<hbm>>) dst(%arg12 : memref<128x128xf32, #tpu.memory_space<vmem>>)
      %sub3A_266 = arith.constant 2 : i32
      %sub3A_267 = arith.subi %add3A_206, %sub3A_266 : i32
      %mul3A_268 = arith.constant 128 : i32
      %mul3A_269 = arith.muli %sub3A_267, %mul3A_268 : i32
      %add3A_270 = arith.addi %mul3A_9, %mul3A_269 : i32
      %dma_start3A_271 = arith.constant 0 : i32
      %dma_start3A_272 = tpu.memref_slice %arg7[%add3A_270, %dma_start3A_271] : memref<163840x128xf32, #tpu.memory_space<hbm>> -> memref<128x128xf32, #tpu.memory_space<hbm>>
      %dma_start3A_273 = arith.constant 0 : i32
      %dma_start3A_274 = tpu.memref_slice %arg7[%add3A_270, %dma_start3A_273] : memref<163840x128xf32, #tpu.memory_space<hbm>> -> memref<128x128xf32, #tpu.memory_space<hbm>>
      tpu.enqueue_dma source(%arg12 : memref<128x128xf32, #tpu.memory_space<vmem>>) target(%dma_start3A_274 : memref<128x128xf32, #tpu.memory_space<hbm>>) target_semaphore(%arg16 : memref<!tpu.dma_semaphore, #tpu.memory_space<semaphore_mem>>)
      %mul3A_275 = arith.constant 4 : i32
      %mul3A_276 = arith.muli %mul3A_275, %while3A_130 : i32
      %add3A_277 = arith.constant 3 : i32
      %add3A_278 = arith.addi %mul3A_276, %add3A_277 : i32
      %ge3A_279 = arith.constant 1 : i32
      %ge3A_280 = arith.cmpi sge, %while3A_130, %ge3A_279 : i32
      %convert_element_type3A_281 = arith.extui %ge3A_280 : i1 to i32
      %cond3A_282 = arith.constant 0 : i32
      %cond3A_283 = arith.cmpi ne, %convert_element_type3A_281, %cond3A_282 : i32
      scf.if %cond3A_283 {
        %dma_wait3A_348 = arith.constant 0 : i32
        %dma_wait3A_349 = tpu.memref_slice %arg7[%mul3A_9, %dma_wait3A_348] : memref<163840x128xf32, #tpu.memory_space<hbm>> -> memref<128x128xf32, #tpu.memory_space<hbm>>
        %dma_wait3A_350 = arith.constant 0 : i32
        %dma_wait3A_351 = tpu.memref_slice %arg7[%mul3A_9, %dma_wait3A_350] : memref<163840x128xf32, #tpu.memory_space<hbm>> -> memref<128x128xf32, #tpu.memory_space<hbm>>
        tpu.wait_dma2 semaphore(%arg19 : memref<!tpu.dma_semaphore, #tpu.memory_space<semaphore_mem>>) src(%arg15 : memref<128x128xf32, #tpu.memory_space<vmem>>) dst(%dma_wait3A_351 : memref<128x128xf32, #tpu.memory_space<hbm>>)
      } else {
      }
      %dma_start3A_284 = arith.constant 0 : i32
      %dma_start3A_285 = tpu.memref_slice %arg8[%add3A_278, %dma_start3A_284] : memref<56x128xi32, #tpu.memory_space<vmem>> -> memref<1x128xi32, #tpu.memory_space<vmem>>
      %dma_start3A_286 = tpu.memref_squeeze %dma_start3A_285 : memref<1x128xi32, #tpu.memory_space<vmem>> -> memref<128xi32, #tpu.memory_space<vmem>>
      %dma_start3A_287 = arith.constant 0 : i32
      %dma_start3A_288 = arith.constant 0 : i32
      %dma_start3A_289 = tpu.memref_slice %arg2[%dma_start3A_287, %dma_start3A_288] : memref<160000x128xf32, #tpu.memory_space<hbm>> -> memref<160000x128xf32, #tpu.memory_space<hbm>>
      tpu.enqueue_indirect_dma source(%dma_start3A_289 : memref<160000x128xf32, #tpu.memory_space<hbm>>) target(%arg15 : memref<128x128xf32, #tpu.memory_space<vmem>>) offsets(%dma_start3A_286 : memref<128xi32, #tpu.memory_space<vmem>>) semaphore(%arg19 : memref<!tpu.dma_semaphore, #tpu.memory_space<semaphore_mem>>)
      %dma_wait3A_290 = arith.constant 0 : i32
      %dma_wait3A_291 = arith.constant 0 : i32
      %dma_wait3A_292 = tpu.memref_slice %arg8[%dma_wait3A_290, %dma_wait3A_291] : memref<56x128xi32, #tpu.memory_space<vmem>> -> memref<1x128xi32, #tpu.memory_space<vmem>>
      %dma_wait3A_293 = tpu.memref_squeeze %dma_wait3A_292 : memref<1x128xi32, #tpu.memory_space<vmem>> -> memref<128xi32, #tpu.memory_space<vmem>>
      %dma_wait3A_294 = arith.constant 0 : i32
      %dma_wait3A_295 = arith.constant 0 : i32
      %dma_wait3A_296 = tpu.memref_slice %arg2[%dma_wait3A_294, %dma_wait3A_295] : memref<160000x128xf32, #tpu.memory_space<hbm>> -> memref<160000x128xf32, #tpu.memory_space<hbm>>
      tpu.wait_indirect_dma semaphore(%arg18 : memref<!tpu.dma_semaphore, #tpu.memory_space<semaphore_mem>>) src(%dma_wait3A_296 : memref<160000x128xf32, #tpu.memory_space<hbm>>) dst(%arg14 : memref<128x128xf32, #tpu.memory_space<vmem>>)
      %sub3A_297 = arith.constant 1 : i32
      %sub3A_298 = arith.subi %add3A_278, %sub3A_297 : i32
      %dma_start3A_299 = arith.constant 0 : i32
      %dma_start3A_300 = tpu.memref_slice %arg9[%sub3A_298, %dma_start3A_299] : memref<56x128xi32, #tpu.memory_space<vmem>> -> memref<1x128xi32, #tpu.memory_space<vmem>>
      %dma_start3A_301 = tpu.memref_squeeze %dma_start3A_300 : memref<1x128xi32, #tpu.memory_space<vmem>> -> memref<128xi32, #tpu.memory_space<vmem>>
      %dma_start3A_302 = arith.constant 0 : i32
      %dma_start3A_303 = arith.constant 0 : i32
      %dma_start3A_304 = tpu.memref_slice %arg3[%dma_start3A_302, %dma_start3A_303] : memref<160000x128xf32, #tpu.memory_space<hbm>> -> memref<160000x128xf32, #tpu.memory_space<hbm>>
      tpu.enqueue_indirect_dma source(%dma_start3A_304 : memref<160000x128xf32, #tpu.memory_space<hbm>>) target(%arg14 : memref<128x128xf32, #tpu.memory_space<vmem>>) offsets(%dma_start3A_301 : memref<128xi32, #tpu.memory_space<vmem>>) semaphore(%arg18 : memref<!tpu.dma_semaphore, #tpu.memory_space<semaphore_mem>>) {add = true}
      %dma_start3A_305 = arith.constant 0 : i32
      %dma_start3A_306 = tpu.memref_slice %arg10[%sub3A_298, %dma_start3A_305] : memref<56x128xi32, #tpu.memory_space<vmem>> -> memref<1x128xi32, #tpu.memory_space<vmem>>
      %dma_start3A_307 = tpu.memref_squeeze %dma_start3A_306 : memref<1x128xi32, #tpu.memory_space<vmem>> -> memref<128xi32, #tpu.memory_space<vmem>>
      %dma_start3A_308 = arith.constant 0 : i32
      %dma_start3A_309 = arith.constant 0 : i32
      %dma_start3A_310 = tpu.memref_slice %arg4[%dma_start3A_308, %dma_start3A_309] : memref<160000x128xf32, #tpu.memory_space<hbm>> -> memref<160000x128xf32, #tpu.memory_space<hbm>>
      tpu.enqueue_indirect_dma source(%dma_start3A_310 : memref<160000x128xf32, #tpu.memory_space<hbm>>) target(%arg14 : memref<128x128xf32, #tpu.memory_space<vmem>>) offsets(%dma_start3A_307 : memref<128xi32, #tpu.memory_space<vmem>>) semaphore(%arg18 : memref<!tpu.dma_semaphore, #tpu.memory_space<semaphore_mem>>) {add = true}
      %dma_start3A_311 = arith.constant 0 : i32
      %dma_start3A_312 = tpu.memref_slice %arg11[%sub3A_298, %dma_start3A_311] : memref<56x128xi32, #tpu.memory_space<vmem>> -> memref<1x128xi32, #tpu.memory_space<vmem>>
      %dma_start3A_313 = tpu.memref_squeeze %dma_start3A_312 : memref<1x128xi32, #tpu.memory_space<vmem>> -> memref<128xi32, #tpu.memory_space<vmem>>
      %dma_start3A_314 = arith.constant 0 : i32
      %dma_start3A_315 = arith.constant 0 : i32
      %dma_start3A_316 = tpu.memref_slice %arg5[%dma_start3A_314, %dma_start3A_315] : memref<160000x128xf32, #tpu.memory_space<hbm>> -> memref<160000x128xf32, #tpu.memory_space<hbm>>
      tpu.enqueue_indirect_dma source(%dma_start3A_316 : memref<160000x128xf32, #tpu.memory_space<hbm>>) target(%arg14 : memref<128x128xf32, #tpu.memory_space<vmem>>) offsets(%dma_start3A_313 : memref<128xi32, #tpu.memory_space<vmem>>) semaphore(%arg18 : memref<!tpu.dma_semaphore, #tpu.memory_space<semaphore_mem>>) {add = true}
      %dma_wait3A_317 = arith.constant 0 : i32
      %dma_wait3A_318 = arith.constant 0 : i32
      %dma_wait3A_319 = tpu.memref_slice %arg8[%dma_wait3A_317, %dma_wait3A_318] : memref<56x128xi32, #tpu.memory_space<vmem>> -> memref<1x128xi32, #tpu.memory_space<vmem>>
      %dma_wait3A_320 = tpu.memref_squeeze %dma_wait3A_319 : memref<1x128xi32, #tpu.memory_space<vmem>> -> memref<128xi32, #tpu.memory_space<vmem>>
      %dma_wait3A_321 = arith.constant 0 : i32
      %dma_wait3A_322 = arith.constant 0 : i32
      %dma_wait3A_323 = tpu.memref_slice %arg2[%dma_wait3A_321, %dma_wait3A_322] : memref<160000x128xf32, #tpu.memory_space<hbm>> -> memref<160000x128xf32, #tpu.memory_space<hbm>>
      tpu.wait_indirect_dma semaphore(%arg17 : memref<!tpu.dma_semaphore, #tpu.memory_space<semaphore_mem>>) src(%dma_wait3A_323 : memref<160000x128xf32, #tpu.memory_space<hbm>>) dst(%arg13 : memref<128x128xf32, #tpu.memory_space<vmem>>)
      %dma_wait3A_324 = arith.constant 0 : i32
      %dma_wait3A_325 = arith.constant 0 : i32
      %dma_wait3A_326 = tpu.memref_slice %arg8[%dma_wait3A_324, %dma_wait3A_325] : memref<56x128xi32, #tpu.memory_space<vmem>> -> memref<1x128xi32, #tpu.memory_space<vmem>>
      %dma_wait3A_327 = tpu.memref_squeeze %dma_wait3A_326 : memref<1x128xi32, #tpu.memory_space<vmem>> -> memref<128xi32, #tpu.memory_space<vmem>>
      %dma_wait3A_328 = arith.constant 0 : i32
      %dma_wait3A_329 = arith.constant 0 : i32
      %dma_wait3A_330 = tpu.memref_slice %arg2[%dma_wait3A_328, %dma_wait3A_329] : memref<160000x128xf32, #tpu.memory_space<hbm>> -> memref<160000x128xf32, #tpu.memory_space<hbm>>
      tpu.wait_indirect_dma semaphore(%arg17 : memref<!tpu.dma_semaphore, #tpu.memory_space<semaphore_mem>>) src(%dma_wait3A_330 : memref<160000x128xf32, #tpu.memory_space<hbm>>) dst(%arg13 : memref<128x128xf32, #tpu.memory_space<vmem>>)
      %dma_wait3A_331 = arith.constant 0 : i32
      %dma_wait3A_332 = arith.constant 0 : i32
      %dma_wait3A_333 = tpu.memref_slice %arg8[%dma_wait3A_331, %dma_wait3A_332] : memref<56x128xi32, #tpu.memory_space<vmem>> -> memref<1x128xi32, #tpu.memory_space<vmem>>
      %dma_wait3A_334 = tpu.memref_squeeze %dma_wait3A_333 : memref<1x128xi32, #tpu.memory_space<vmem>> -> memref<128xi32, #tpu.memory_space<vmem>>
      %dma_wait3A_335 = arith.constant 0 : i32
      %dma_wait3A_336 = arith.constant 0 : i32
      %dma_wait3A_337 = tpu.memref_slice %arg2[%dma_wait3A_335, %dma_wait3A_336] : memref<160000x128xf32, #tpu.memory_space<hbm>> -> memref<160000x128xf32, #tpu.memory_space<hbm>>
      tpu.wait_indirect_dma semaphore(%arg17 : memref<!tpu.dma_semaphore, #tpu.memory_space<semaphore_mem>>) src(%dma_wait3A_337 : memref<160000x128xf32, #tpu.memory_space<hbm>>) dst(%arg13 : memref<128x128xf32, #tpu.memory_space<vmem>>)
      %sub3A_338 = arith.constant 2 : i32
      %sub3A_339 = arith.subi %add3A_278, %sub3A_338 : i32
      %mul3A_340 = arith.constant 128 : i32
      %mul3A_341 = arith.muli %sub3A_339, %mul3A_340 : i32
      %add3A_342 = arith.addi %mul3A_9, %mul3A_341 : i32
      %dma_start3A_343 = arith.constant 0 : i32
      %dma_start3A_344 = tpu.memref_slice %arg7[%add3A_342, %dma_start3A_343] : memref<163840x128xf32, #tpu.memory_space<hbm>> -> memref<128x128xf32, #tpu.memory_space<hbm>>
      %dma_start3A_345 = arith.constant 0 : i32
      %dma_start3A_346 = tpu.memref_slice %arg7[%add3A_342, %dma_start3A_345] : memref<163840x128xf32, #tpu.memory_space<hbm>> -> memref<128x128xf32, #tpu.memory_space<hbm>>
      tpu.enqueue_dma source(%arg13 : memref<128x128xf32, #tpu.memory_space<vmem>>) target(%dma_start3A_346 : memref<128x128xf32, #tpu.memory_space<hbm>>) target_semaphore(%arg17 : memref<!tpu.dma_semaphore, #tpu.memory_space<semaphore_mem>>)
      %while3A_347 = arith.constant 0 : i32
      scf.yield %while3A_347 : i32
    }
    %while3A_26 = arith.constant 1 : i32
    %while3A_27 = scf.for %while3A_130 = %while3A_23 to %while3A_19 step %while3A_26 iter_args(%while3A_131 = %while3A_25) -> (i32)  : i32 {
      %mul3A_132 = arith.constant 4 : i32
      %mul3A_133 = arith.muli %mul3A_132, %while3A_130 : i32
      %add3A_134 = arith.constant 0 : i32
      %add3A_135 = arith.addi %mul3A_133, %add3A_134 : i32
      %ge3A = arith.constant 1 : i32
      %ge3A_136 = arith.cmpi sge, %while3A_130, %ge3A : i32
      %convert_element_type3A_137 = arith.extui %ge3A_136 : i1 to i32
      %cond3A_138 = arith.constant 0 : i32
      %cond3A_139 = arith.cmpi ne, %convert_element_type3A_137, %cond3A_138 : i32
      scf.if %cond3A_139 {
        %dma_wait3A_348 = arith.constant 0 : i32
        %dma_wait3A_349 = tpu.memref_slice %arg7[%mul3A_9, %dma_wait3A_348] : memref<163840x128xf32, #tpu.memory_space<hbm>> -> memref<128x128xf32, #tpu.memory_space<hbm>>
        %dma_wait3A_350 = arith.constant 0 : i32
        %dma_wait3A_351 = tpu.memref_slice %arg7[%mul3A_9, %dma_wait3A_350] : memref<163840x128xf32, #tpu.memory_space<hbm>> -> memref<128x128xf32, #tpu.memory_space<hbm>>
        tpu.wait_dma2 semaphore(%arg16 : memref<!tpu.dma_semaphore, #tpu.memory_space<semaphore_mem>>) src(%arg12 : memref<128x128xf32, #tpu.memory_space<vmem>>) dst(%dma_wait3A_351 : memref<128x128xf32, #tpu.memory_space<hbm>>)
      } else {
      }
      %dma_start3A_140 = arith.constant 0 : i32
      %dma_start3A_141 = tpu.memref_slice %arg8[%add3A_135, %dma_start3A_140] : memref<56x128xi32, #tpu.memory_space<vmem>> -> memref<1x128xi32, #tpu.memory_space<vmem>>
      %dma_start3A_142 = tpu.memref_squeeze %dma_start3A_141 : memref<1x128xi32, #tpu.memory_space<vmem>> -> memref<128xi32, #tpu.memory_space<vmem>>
      %dma_start3A_143 = arith.constant 0 : i32
      %dma_start3A_144 = arith.constant 0 : i32
      %dma_start3A_145 = tpu.memref_slice %arg2[%dma_start3A_143, %dma_start3A_144] : memref<160000x128xf32, #tpu.memory_space<hbm>> -> memref<160000x128xf32, #tpu.memory_space<hbm>>
      tpu.enqueue_indirect_dma source(%dma_start3A_145 : memref<160000x128xf32, #tpu.memory_space<hbm>>) target(%arg12 : memref<128x128xf32, #tpu.memory_space<vmem>>) offsets(%dma_start3A_142 : memref<128xi32, #tpu.memory_space<vmem>>) semaphore(%arg16 : memref<!tpu.dma_semaphore, #tpu.memory_space<semaphore_mem>>)
      %ge3A_146 = arith.constant 1 : i32
      %ge3A_147 = arith.cmpi sge, %while3A_130, %ge3A_146 : i32
      %convert_element_type3A_148 = arith.extui %ge3A_147 : i1 to i32
      %cond3A_149 = arith.constant 0 : i32
      %cond3A_150 = arith.cmpi ne, %convert_element_type3A_148, %cond3A_149 : i32
      scf.if %cond3A_150 {
        %dma_wait3A_348 = arith.constant 0 : i32
        %dma_wait3A_349 = arith.constant 0 : i32
        %dma_wait3A_350 = tpu.memref_slice %arg8[%dma_wait3A_348, %dma_wait3A_349] : memref<56x128xi32, #tpu.memory_space<vmem>> -> memref<1x128xi32, #tpu.memory_space<vmem>>
        %dma_wait3A_351 = tpu.memref_squeeze %dma_wait3A_350 : memref<1x128xi32, #tpu.memory_space<vmem>> -> memref<128xi32, #tpu.memory_space<vmem>>
        %dma_wait3A_352 = arith.constant 0 : i32
        %dma_wait3A_353 = arith.constant 0 : i32
        %dma_wait3A_354 = tpu.memref_slice %arg2[%dma_wait3A_352, %dma_wait3A_353] : memref<160000x128xf32, #tpu.memory_space<hbm>> -> memref<160000x128xf32, #tpu.memory_space<hbm>>
        tpu.wait_indirect_dma semaphore(%arg19 : memref<!tpu.dma_semaphore, #tpu.memory_space<semaphore_mem>>) src(%dma_wait3A_354 : memref<160000x128xf32, #tpu.memory_space<hbm>>) dst(%arg15 : memref<128x128xf32, #tpu.memory_space<vmem>>)
        %sub3A_355 = arith.constant 1 : i32
        %sub3A_356 = arith.subi %add3A_135, %sub3A_355 : i32
        %dma_start3A_357 = arith.constant 0 : i32
        %dma_start3A_358 = tpu.memref_slice %arg9[%sub3A_356, %dma_start3A_357] : memref<56x128xi32, #tpu.memory_space<vmem>> -> memref<1x128xi32, #tpu.memory_space<vmem>>
        %dma_start3A_359 = tpu.memref_squeeze %dma_start3A_358 : memref<1x128xi32, #tpu.memory_space<vmem>> -> memref<128xi32, #tpu.memory_space<vmem>>
        %dma_start3A_360 = arith.constant 0 : i32
        %dma_start3A_361 = arith.constant 0 : i32
        %dma_start3A_362 = tpu.memref_slice %arg3[%dma_start3A_360, %dma_start3A_361] : memref<160000x128xf32, #tpu.memory_space<hbm>> -> memref<160000x128xf32, #tpu.memory_space<hbm>>
        tpu.enqueue_indirect_dma source(%dma_start3A_362 : memref<160000x128xf32, #tpu.memory_space<hbm>>) target(%arg15 : memref<128x128xf32, #tpu.memory_space<vmem>>) offsets(%dma_start3A_359 : memref<128xi32, #tpu.memory_space<vmem>>) semaphore(%arg19 : memref<!tpu.dma_semaphore, #tpu.memory_space<semaphore_mem>>) {add = true}
        %dma_start3A_363 = arith.constant 0 : i32
        %dma_start3A_364 = tpu.memref_slice %arg10[%sub3A_356, %dma_start3A_363] : memref<56x128xi32, #tpu.memory_space<vmem>> -> memref<1x128xi32, #tpu.memory_space<vmem>>
        %dma_start3A_365 = tpu.memref_squeeze %dma_start3A_364 : memref<1x128xi32, #tpu.memory_space<vmem>> -> memref<128xi32, #tpu.memory_space<vmem>>
        %dma_start3A_366 = arith.constant 0 : i32
        %dma_start3A_367 = arith.constant 0 : i32
        %dma_start3A_368 = tpu.memref_slice %arg4[%dma_start3A_366, %dma_start3A_367] : memref<160000x128xf32, #tpu.memory_space<hbm>> -> memref<160000x128xf32, #tpu.memory_space<hbm>>
        tpu.enqueue_indirect_dma source(%dma_start3A_368 : memref<160000x128xf32, #tpu.memory_space<hbm>>) target(%arg15 : memref<128x128xf32, #tpu.memory_space<vmem>>) offsets(%dma_start3A_365 : memref<128xi32, #tpu.memory_space<vmem>>) semaphore(%arg19 : memref<!tpu.dma_semaphore, #tpu.memory_space<semaphore_mem>>) {add = true}
        %dma_start3A_369 = arith.constant 0 : i32
        %dma_start3A_370 = tpu.memref_slice %arg11[%sub3A_356, %dma_start3A_369] : memref<56x128xi32, #tpu.memory_space<vmem>> -> memref<1x128xi32, #tpu.memory_space<vmem>>
        %dma_start3A_371 = tpu.memref_squeeze %dma_start3A_370 : memref<1x128xi32, #tpu.memory_space<vmem>> -> memref<128xi32, #tpu.memory_space<vmem>>
        %dma_start3A_372 = arith.constant 0 : i32
        %dma_start3A_373 = arith.constant 0 : i32
        %dma_start3A_374 = tpu.memref_slice %arg5[%dma_start3A_372, %dma_start3A_373] : memref<160000x128xf32, #tpu.memory_space<hbm>> -> memref<160000x128xf32, #tpu.memory_space<hbm>>
        tpu.enqueue_indirect_dma source(%dma_start3A_374 : memref<160000x128xf32, #tpu.memory_space<hbm>>) target(%arg15 : memref<128x128xf32, #tpu.memory_space<vmem>>) offsets(%dma_start3A_371 : memref<128xi32, #tpu.memory_space<vmem>>) semaphore(%arg19 : memref<!tpu.dma_semaphore, #tpu.memory_space<semaphore_mem>>) {add = true}
      } else {
      }
      %ge3A_151 = arith.constant 1 : i32
      %ge3A_152 = arith.cmpi sge, %while3A_130, %ge3A_151 : i32
      %convert_element_type3A_153 = arith.extui %ge3A_152 : i1 to i32
      %cond3A_154 = arith.constant 0 : i32
      %cond3A_155 = arith.cmpi ne, %convert_element_type3A_153, %cond3A_154 : i32
      scf.if %cond3A_155 {
        %dma_wait3A_348 = arith.constant 0 : i32
        %dma_wait3A_349 = arith.constant 0 : i32
        %dma_wait3A_350 = tpu.memref_slice %arg8[%dma_wait3A_348, %dma_wait3A_349] : memref<56x128xi32, #tpu.memory_space<vmem>> -> memref<1x128xi32, #tpu.memory_space<vmem>>
        %dma_wait3A_351 = tpu.memref_squeeze %dma_wait3A_350 : memref<1x128xi32, #tpu.memory_space<vmem>> -> memref<128xi32, #tpu.memory_space<vmem>>
        %dma_wait3A_352 = arith.constant 0 : i32
        %dma_wait3A_353 = arith.constant 0 : i32
        %dma_wait3A_354 = tpu.memref_slice %arg2[%dma_wait3A_352, %dma_wait3A_353] : memref<160000x128xf32, #tpu.memory_space<hbm>> -> memref<160000x128xf32, #tpu.memory_space<hbm>>
        tpu.wait_indirect_dma semaphore(%arg18 : memref<!tpu.dma_semaphore, #tpu.memory_space<semaphore_mem>>) src(%dma_wait3A_354 : memref<160000x128xf32, #tpu.memory_space<hbm>>) dst(%arg14 : memref<128x128xf32, #tpu.memory_space<vmem>>)
        %dma_wait3A_355 = arith.constant 0 : i32
        %dma_wait3A_356 = arith.constant 0 : i32
        %dma_wait3A_357 = tpu.memref_slice %arg8[%dma_wait3A_355, %dma_wait3A_356] : memref<56x128xi32, #tpu.memory_space<vmem>> -> memref<1x128xi32, #tpu.memory_space<vmem>>
        %dma_wait3A_358 = tpu.memref_squeeze %dma_wait3A_357 : memref<1x128xi32, #tpu.memory_space<vmem>> -> memref<128xi32, #tpu.memory_space<vmem>>
        %dma_wait3A_359 = arith.constant 0 : i32
        %dma_wait3A_360 = arith.constant 0 : i32
        %dma_wait3A_361 = tpu.memref_slice %arg2[%dma_wait3A_359, %dma_wait3A_360] : memref<160000x128xf32, #tpu.memory_space<hbm>> -> memref<160000x128xf32, #tpu.memory_space<hbm>>
        tpu.wait_indirect_dma semaphore(%arg18 : memref<!tpu.dma_semaphore, #tpu.memory_space<semaphore_mem>>) src(%dma_wait3A_361 : memref<160000x128xf32, #tpu.memory_space<hbm>>) dst(%arg14 : memref<128x128xf32, #tpu.memory_space<vmem>>)
        %dma_wait3A_362 = arith.constant 0 : i32
        %dma_wait3A_363 = arith.constant 0 : i32
        %dma_wait3A_364 = tpu.memref_slice %arg8[%dma_wait3A_362, %dma_wait3A_363] : memref<56x128xi32, #tpu.memory_space<vmem>> -> memref<1x128xi32, #tpu.memory_space<vmem>>
        %dma_wait3A_365 = tpu.memref_squeeze %dma_wait3A_364 : memref<1x128xi32, #tpu.memory_space<vmem>> -> memref<128xi32, #tpu.memory_space<vmem>>
        %dma_wait3A_366 = arith.constant 0 : i32
        %dma_wait3A_367 = arith.constant 0 : i32
        %dma_wait3A_368 = tpu.memref_slice %arg2[%dma_wait3A_366, %dma_wait3A_367] : memref<160000x128xf32, #tpu.memory_space<hbm>> -> memref<160000x128xf32, #tpu.memory_space<hbm>>
        tpu.wait_indirect_dma semaphore(%arg18 : memref<!tpu.dma_semaphore, #tpu.memory_space<semaphore_mem>>) src(%dma_wait3A_368 : memref<160000x128xf32, #tpu.memory_space<hbm>>) dst(%arg14 : memref<128x128xf32, #tpu.memory_space<vmem>>)
        %sub3A_369 = arith.constant 2 : i32
        %sub3A_370 = arith.subi %add3A_135, %sub3A_369 : i32
        %mul3A_371 = arith.constant 128 : i32
        %mul3A_372 = arith.muli %sub3A_370, %mul3A_371 : i32
        %add3A_373 = arith.addi %mul3A_9, %mul3A_372 : i32
        %dma_start3A_374 = arith.constant 0 : i32
        %dma_start3A_375 = tpu.memref_slice %arg7[%add3A_373, %dma_start3A_374] : memref<163840x128xf32, #tpu.memory_space<hbm>> -> memref<128x128xf32, #tpu.memory_space<hbm>>
        %dma_start3A_376 = arith.constant 0 : i32
        %dma_start3A_377 = tpu.memref_slice %arg7[%add3A_373, %dma_start3A_376] : memref<163840x128xf32, #tpu.memory_space<hbm>> -> memref<128x128xf32, #tpu.memory_space<hbm>>
        tpu.enqueue_dma source(%arg14 : memref<128x128xf32, #tpu.memory_space<vmem>>) target(%dma_start3A_377 : memref<128x128xf32, #tpu.memory_space<hbm>>) target_semaphore(%arg18 : memref<!tpu.dma_semaphore, #tpu.memory_space<semaphore_mem>>)
      } else {
      }
      %mul3A_156 = arith.constant 4 : i32
      %mul3A_157 = arith.muli %mul3A_156, %while3A_130 : i32
      %add3A_158 = arith.constant 1 : i32
      %add3A_159 = arith.addi %mul3A_157, %add3A_158 : i32
      %ge3A_160 = arith.constant 1 : i32
      %ge3A_161 = arith.cmpi sge, %while3A_130, %ge3A_160 : i32
      %convert_element_type3A_162 = arith.extui %ge3A_161 : i1 to i32
      %cond3A_163 = arith.constant 0 : i32
      %cond3A_164 = arith.cmpi ne, %convert_element_type3A_162, %cond3A_163 : i32
      scf.if %cond3A_164 {
        %dma_wait3A_348 = arith.constant 0 : i32
        %dma_wait3A_349 = tpu.memref_slice %arg7[%mul3A_9, %dma_wait3A_348] : memref<163840x128xf32, #tpu.memory_space<hbm>> -> memref<128x128xf32, #tpu.memory_space<hbm>>
        %dma_wait3A_350 = arith.constant 0 : i32
        %dma_wait3A_351 = tpu.memref_slice %arg7[%mul3A_9, %dma_wait3A_350] : memref<163840x128xf32, #tpu.memory_space<hbm>> -> memref<128x128xf32, #tpu.memory_space<hbm>>
        tpu.wait_dma2 semaphore(%arg17 : memref<!tpu.dma_semaphore, #tpu.memory_space<semaphore_mem>>) src(%arg13 : memref<128x128xf32, #tpu.memory_space<vmem>>) dst(%dma_wait3A_351 : memref<128x128xf32, #tpu.memory_space<hbm>>)
      } else {
      }
      %dma_start3A_165 = arith.constant 0 : i32
      %dma_start3A_166 = tpu.memref_slice %arg8[%add3A_159, %dma_start3A_165] : memref<56x128xi32, #tpu.memory_space<vmem>> -> memref<1x128xi32, #tpu.memory_space<vmem>>
      %dma_start3A_167 = tpu.memref_squeeze %dma_start3A_166 : memref<1x128xi32, #tpu.memory_space<vmem>> -> memref<128xi32, #tpu.memory_space<vmem>>
      %dma_start3A_168 = arith.constant 0 : i32
      %dma_start3A_169 = arith.constant 0 : i32
      %dma_start3A_170 = tpu.memref_slice %arg2[%dma_start3A_168, %dma_start3A_169] : memref<160000x128xf32, #tpu.memory_space<hbm>> -> memref<160000x128xf32, #tpu.memory_space<hbm>>
      tpu.enqueue_indirect_dma source(%dma_start3A_170 : memref<160000x128xf32, #tpu.memory_space<hbm>>) target(%arg13 : memref<128x128xf32, #tpu.memory_space<vmem>>) offsets(%dma_start3A_167 : memref<128xi32, #tpu.memory_space<vmem>>) semaphore(%arg17 : memref<!tpu.dma_semaphore, #tpu.memory_space<semaphore_mem>>)
      %dma_wait3A_171 = arith.constant 0 : i32
      %dma_wait3A_172 = arith.constant 0 : i32
      %dma_wait3A_173 = tpu.memref_slice %arg8[%dma_wait3A_171, %dma_wait3A_172] : memref<56x128xi32, #tpu.memory_space<vmem>> -> memref<1x128xi32, #tpu.memory_space<vmem>>
      %dma_wait3A_174 = tpu.memref_squeeze %dma_wait3A_173 : memref<1x128xi32, #tpu.memory_space<vmem>> -> memref<128xi32, #tpu.memory_space<vmem>>
      %dma_wait3A_175 = arith.constant 0 : i32
      %dma_wait3A_176 = arith.constant 0 : i32
      %dma_wait3A_177 = tpu.memref_slice %arg2[%dma_wait3A_175, %dma_wait3A_176] : memref<160000x128xf32, #tpu.memory_space<hbm>> -> memref<160000x128xf32, #tpu.memory_space<hbm>>
      tpu.wait_indirect_dma semaphore(%arg16 : memref<!tpu.dma_semaphore, #tpu.memory_space<semaphore_mem>>) src(%dma_wait3A_177 : memref<160000x128xf32, #tpu.memory_space<hbm>>) dst(%arg12 : memref<128x128xf32, #tpu.memory_space<vmem>>)
      %sub3A_178 = arith.constant 1 : i32
      %sub3A_179 = arith.subi %add3A_159, %sub3A_178 : i32
      %dma_start3A_180 = arith.constant 0 : i32
      %dma_start3A_181 = tpu.memref_slice %arg9[%sub3A_179, %dma_start3A_180] : memref<56x128xi32, #tpu.memory_space<vmem>> -> memref<1x128xi32, #tpu.memory_space<vmem>>
      %dma_start3A_182 = tpu.memref_squeeze %dma_start3A_181 : memref<1x128xi32, #tpu.memory_space<vmem>> -> memref<128xi32, #tpu.memory_space<vmem>>
      %dma_start3A_183 = arith.constant 0 : i32
      %dma_start3A_184 = arith.constant 0 : i32
      %dma_start3A_185 = tpu.memref_slice %arg3[%dma_start3A_183, %dma_start3A_184] : memref<160000x128xf32, #tpu.memory_space<hbm>> -> memref<160000x128xf32, #tpu.memory_space<hbm>>
      tpu.enqueue_indirect_dma source(%dma_start3A_185 : memref<160000x128xf32, #tpu.memory_space<hbm>>) target(%arg12 : memref<128x128xf32, #tpu.memory_space<vmem>>) offsets(%dma_start3A_182 : memref<128xi32, #tpu.memory_space<vmem>>) semaphore(%arg16 : memref<!tpu.dma_semaphore, #tpu.memory_space<semaphore_mem>>) {add = true}
      %dma_start3A_186 = arith.constant 0 : i32
      %dma_start3A_187 = tpu.memref_slice %arg10[%sub3A_179, %dma_start3A_186] : memref<56x128xi32, #tpu.memory_space<vmem>> -> memref<1x128xi32, #tpu.memory_space<vmem>>
      %dma_start3A_188 = tpu.memref_squeeze %dma_start3A_187 : memref<1x128xi32, #tpu.memory_space<vmem>> -> memref<128xi32, #tpu.memory_space<vmem>>
      %dma_start3A_189 = arith.constant 0 : i32
      %dma_start3A_190 = arith.constant 0 : i32
      %dma_start3A_191 = tpu.memref_slice %arg4[%dma_start3A_189, %dma_start3A_190] : memref<160000x128xf32, #tpu.memory_space<hbm>> -> memref<160000x128xf32, #tpu.memory_space<hbm>>
      tpu.enqueue_indirect_dma source(%dma_start3A_191 : memref<160000x128xf32, #tpu.memory_space<hbm>>) target(%arg12 : memref<128x128xf32, #tpu.memory_space<vmem>>) offsets(%dma_start3A_188 : memref<128xi32, #tpu.memory_space<vmem>>) semaphore(%arg16 : memref<!tpu.dma_semaphore, #tpu.memory_space<semaphore_mem>>) {add = true}
      %dma_start3A_192 = arith.constant 0 : i32
      %dma_start3A_193 = tpu.memref_slice %arg11[%sub3A_179, %dma_start3A_192] : memref<56x128xi32, #tpu.memory_space<vmem>> -> memref<1x128xi32, #tpu.memory_space<vmem>>
      %dma_start3A_194 = tpu.memref_squeeze %dma_start3A_193 : memref<1x128xi32, #tpu.memory_space<vmem>> -> memref<128xi32, #tpu.memory_space<vmem>>
      %dma_start3A_195 = arith.constant 0 : i32
      %dma_start3A_196 = arith.constant 0 : i32
      %dma_start3A_197 = tpu.memref_slice %arg5[%dma_start3A_195, %dma_start3A_196] : memref<160000x128xf32, #tpu.memory_space<hbm>> -> memref<160000x128xf32, #tpu.memory_space<hbm>>
      tpu.enqueue_indirect_dma source(%dma_start3A_197 : memref<160000x128xf32, #tpu.memory_space<hbm>>) target(%arg12 : memref<128x128xf32, #tpu.memory_space<vmem>>) offsets(%dma_start3A_194 : memref<128xi32, #tpu.memory_space<vmem>>) semaphore(%arg16 : memref<!tpu.dma_semaphore, #tpu.memory_space<semaphore_mem>>) {add = true}
      %ge3A_198 = arith.constant 1 : i32
      %ge3A_199 = arith.cmpi sge, %while3A_130, %ge3A_198 : i32
      %convert_element_type3A_200 = arith.extui %ge3A_199 : i1 to i32
      %cond3A_201 = arith.constant 0 : i32
      %cond3A_202 = arith.cmpi ne, %convert_element_type3A_200, %cond3A_201 : i32
      scf.if %cond3A_202 {
        %dma_wait3A_348 = arith.constant 0 : i32
        %dma_wait3A_349 = arith.constant 0 : i32
        %dma_wait3A_350 = tpu.memref_slice %arg8[%dma_wait3A_348, %dma_wait3A_349] : memref<56x128xi32, #tpu.memory_space<vmem>> -> memref<1x128xi32, #tpu.memory_space<vmem>>
        %dma_wait3A_351 = tpu.memref_squeeze %dma_wait3A_350 : memref<1x128xi32, #tpu.memory_space<vmem>> -> memref<128xi32, #tpu.memory_space<vmem>>
        %dma_wait3A_352 = arith.constant 0 : i32
        %dma_wait3A_353 = arith.constant 0 : i32
        %dma_wait3A_354 = tpu.memref_slice %arg2[%dma_wait3A_352, %dma_wait3A_353] : memref<160000x128xf32, #tpu.memory_space<hbm>> -> memref<160000x128xf32, #tpu.memory_space<hbm>>
        tpu.wait_indirect_dma semaphore(%arg19 : memref<!tpu.dma_semaphore, #tpu.memory_space<semaphore_mem>>) src(%dma_wait3A_354 : memref<160000x128xf32, #tpu.memory_space<hbm>>) dst(%arg15 : memref<128x128xf32, #tpu.memory_space<vmem>>)
        %dma_wait3A_355 = arith.constant 0 : i32
        %dma_wait3A_356 = arith.constant 0 : i32
        %dma_wait3A_357 = tpu.memref_slice %arg8[%dma_wait3A_355, %dma_wait3A_356] : memref<56x128xi32, #tpu.memory_space<vmem>> -> memref<1x128xi32, #tpu.memory_space<vmem>>
        %dma_wait3A_358 = tpu.memref_squeeze %dma_wait3A_357 : memref<1x128xi32, #tpu.memory_space<vmem>> -> memref<128xi32, #tpu.memory_space<vmem>>
        %dma_wait3A_359 = arith.constant 0 : i32
        %dma_wait3A_360 = arith.constant 0 : i32
        %dma_wait3A_361 = tpu.memref_slice %arg2[%dma_wait3A_359, %dma_wait3A_360] : memref<160000x128xf32, #tpu.memory_space<hbm>> -> memref<160000x128xf32, #tpu.memory_space<hbm>>
        tpu.wait_indirect_dma semaphore(%arg19 : memref<!tpu.dma_semaphore, #tpu.memory_space<semaphore_mem>>) src(%dma_wait3A_361 : memref<160000x128xf32, #tpu.memory_space<hbm>>) dst(%arg15 : memref<128x128xf32, #tpu.memory_space<vmem>>)
        %dma_wait3A_362 = arith.constant 0 : i32
        %dma_wait3A_363 = arith.constant 0 : i32
        %dma_wait3A_364 = tpu.memref_slice %arg8[%dma_wait3A_362, %dma_wait3A_363] : memref<56x128xi32, #tpu.memory_space<vmem>> -> memref<1x128xi32, #tpu.memory_space<vmem>>
        %dma_wait3A_365 = tpu.memref_squeeze %dma_wait3A_364 : memref<1x128xi32, #tpu.memory_space<vmem>> -> memref<128xi32, #tpu.memory_space<vmem>>
        %dma_wait3A_366 = arith.constant 0 : i32
        %dma_wait3A_367 = arith.constant 0 : i32
        %dma_wait3A_368 = tpu.memref_slice %arg2[%dma_wait3A_366, %dma_wait3A_367] : memref<160000x128xf32, #tpu.memory_space<hbm>> -> memref<160000x128xf32, #tpu.memory_space<hbm>>
        tpu.wait_indirect_dma semaphore(%arg19 : memref<!tpu.dma_semaphore, #tpu.memory_space<semaphore_mem>>) src(%dma_wait3A_368 : memref<160000x128xf32, #tpu.memory_space<hbm>>) dst(%arg15 : memref<128x128xf32, #tpu.memory_space<vmem>>)
        %sub3A_369 = arith.constant 2 : i32
        %sub3A_370 = arith.subi %add3A_159, %sub3A_369 : i32
        %mul3A_371 = arith.constant 128 : i32
        %mul3A_372 = arith.muli %sub3A_370, %mul3A_371 : i32
        %add3A_373 = arith.addi %mul3A_9, %mul3A_372 : i32
        %dma_start3A_374 = arith.constant 0 : i32
        %dma_start3A_375 = tpu.memref_slice %arg7[%add3A_373, %dma_start3A_374] : memref<163840x128xf32, #tpu.memory_space<hbm>> -> memref<128x128xf32, #tpu.memory_space<hbm>>
        %dma_start3A_376 = arith.constant 0 : i32
        %dma_start3A_377 = tpu.memref_slice %arg7[%add3A_373, %dma_start3A_376] : memref<163840x128xf32, #tpu.memory_space<hbm>> -> memref<128x128xf32, #tpu.memory_space<hbm>>
        tpu.enqueue_dma source(%arg15 : memref<128x128xf32, #tpu.memory_space<vmem>>) target(%dma_start3A_377 : memref<128x128xf32, #tpu.memory_space<hbm>>) target_semaphore(%arg19 : memref<!tpu.dma_semaphore, #tpu.memory_space<semaphore_mem>>)
      } else {
      }
      %mul3A_203 = arith.constant 4 : i32
      %mul3A_204 = arith.muli %mul3A_203, %while3A_130 : i32
      %add3A_205 = arith.constant 2 : i32
      %add3A_206 = arith.addi %mul3A_204, %add3A_205 : i32
      %ge3A_207 = arith.constant 1 : i32
      %ge3A_208 = arith.cmpi sge, %while3A_130, %ge3A_207 : i32
      %convert_element_type3A_209 = arith.extui %ge3A_208 : i1 to i32
      %cond3A_210 = arith.constant 0 : i32
      %cond3A_211 = arith.cmpi ne, %convert_element_type3A_209, %cond3A_210 : i32
      scf.if %cond3A_211 {
        %dma_wait3A_348 = arith.constant 0 : i32
        %dma_wait3A_349 = tpu.memref_slice %arg7[%mul3A_9, %dma_wait3A_348] : memref<163840x128xf32, #tpu.memory_space<hbm>> -> memref<128x128xf32, #tpu.memory_space<hbm>>
        %dma_wait3A_350 = arith.constant 0 : i32
        %dma_wait3A_351 = tpu.memref_slice %arg7[%mul3A_9, %dma_wait3A_350] : memref<163840x128xf32, #tpu.memory_space<hbm>> -> memref<128x128xf32, #tpu.memory_space<hbm>>
        tpu.wait_dma2 semaphore(%arg18 : memref<!tpu.dma_semaphore, #tpu.memory_space<semaphore_mem>>) src(%arg14 : memref<128x128xf32, #tpu.memory_space<vmem>>) dst(%dma_wait3A_351 : memref<128x128xf32, #tpu.memory_space<hbm>>)
      } else {
      }
      %dma_start3A_212 = arith.constant 0 : i32
      %dma_start3A_213 = tpu.memref_slice %arg8[%add3A_206, %dma_start3A_212] : memref<56x128xi32, #tpu.memory_space<vmem>> -> memref<1x128xi32, #tpu.memory_space<vmem>>
      %dma_start3A_214 = tpu.memref_squeeze %dma_start3A_213 : memref<1x128xi32, #tpu.memory_space<vmem>> -> memref<128xi32, #tpu.memory_space<vmem>>
      %dma_start3A_215 = arith.constant 0 : i32
      %dma_start3A_216 = arith.constant 0 : i32
      %dma_start3A_217 = tpu.memref_slice %arg2[%dma_start3A_215, %dma_start3A_216] : memref<160000x128xf32, #tpu.memory_space<hbm>> -> memref<160000x128xf32, #tpu.memory_space<hbm>>
      tpu.enqueue_indirect_dma source(%dma_start3A_217 : memref<160000x128xf32, #tpu.memory_space<hbm>>) target(%arg14 : memref<128x128xf32, #tpu.memory_space<vmem>>) offsets(%dma_start3A_214 : memref<128xi32, #tpu.memory_space<vmem>>) semaphore(%arg18 : memref<!tpu.dma_semaphore, #tpu.memory_space<semaphore_mem>>)
      %dma_wait3A_218 = arith.constant 0 : i32
      %dma_wait3A_219 = arith.constant 0 : i32
      %dma_wait3A_220 = tpu.memref_slice %arg8[%dma_wait3A_218, %dma_wait3A_219] : memref<56x128xi32, #tpu.memory_space<vmem>> -> memref<1x128xi32, #tpu.memory_space<vmem>>
      %dma_wait3A_221 = tpu.memref_squeeze %dma_wait3A_220 : memref<1x128xi32, #tpu.memory_space<vmem>> -> memref<128xi32, #tpu.memory_space<vmem>>
      %dma_wait3A_222 = arith.constant 0 : i32
      %dma_wait3A_223 = arith.constant 0 : i32
      %dma_wait3A_224 = tpu.memref_slice %arg2[%dma_wait3A_222, %dma_wait3A_223] : memref<160000x128xf32, #tpu.memory_space<hbm>> -> memref<160000x128xf32, #tpu.memory_space<hbm>>
      tpu.wait_indirect_dma semaphore(%arg17 : memref<!tpu.dma_semaphore, #tpu.memory_space<semaphore_mem>>) src(%dma_wait3A_224 : memref<160000x128xf32, #tpu.memory_space<hbm>>) dst(%arg13 : memref<128x128xf32, #tpu.memory_space<vmem>>)
      %sub3A_225 = arith.constant 1 : i32
      %sub3A_226 = arith.subi %add3A_206, %sub3A_225 : i32
      %dma_start3A_227 = arith.constant 0 : i32
      %dma_start3A_228 = tpu.memref_slice %arg9[%sub3A_226, %dma_start3A_227] : memref<56x128xi32, #tpu.memory_space<vmem>> -> memref<1x128xi32, #tpu.memory_space<vmem>>
      %dma_start3A_229 = tpu.memref_squeeze %dma_start3A_228 : memref<1x128xi32, #tpu.memory_space<vmem>> -> memref<128xi32, #tpu.memory_space<vmem>>
      %dma_start3A_230 = arith.constant 0 : i32
      %dma_start3A_231 = arith.constant 0 : i32
      %dma_start3A_232 = tpu.memref_slice %arg3[%dma_start3A_230, %dma_start3A_231] : memref<160000x128xf32, #tpu.memory_space<hbm>> -> memref<160000x128xf32, #tpu.memory_space<hbm>>
      tpu.enqueue_indirect_dma source(%dma_start3A_232 : memref<160000x128xf32, #tpu.memory_space<hbm>>) target(%arg13 : memref<128x128xf32, #tpu.memory_space<vmem>>) offsets(%dma_start3A_229 : memref<128xi32, #tpu.memory_space<vmem>>) semaphore(%arg17 : memref<!tpu.dma_semaphore, #tpu.memory_space<semaphore_mem>>) {add = true}
      %dma_start3A_233 = arith.constant 0 : i32
      %dma_start3A_234 = tpu.memref_slice %arg10[%sub3A_226, %dma_start3A_233] : memref<56x128xi32, #tpu.memory_space<vmem>> -> memref<1x128xi32, #tpu.memory_space<vmem>>
      %dma_start3A_235 = tpu.memref_squeeze %dma_start3A_234 : memref<1x128xi32, #tpu.memory_space<vmem>> -> memref<128xi32, #tpu.memory_space<vmem>>
      %dma_start3A_236 = arith.constant 0 : i32
      %dma_start3A_237 = arith.constant 0 : i32
      %dma_start3A_238 = tpu.memref_slice %arg4[%dma_start3A_236, %dma_start3A_237] : memref<160000x128xf32, #tpu.memory_space<hbm>> -> memref<160000x128xf32, #tpu.memory_space<hbm>>
      tpu.enqueue_indirect_dma source(%dma_start3A_238 : memref<160000x128xf32, #tpu.memory_space<hbm>>) target(%arg13 : memref<128x128xf32, #tpu.memory_space<vmem>>) offsets(%dma_start3A_235 : memref<128xi32, #tpu.memory_space<vmem>>) semaphore(%arg17 : memref<!tpu.dma_semaphore, #tpu.memory_space<semaphore_mem>>) {add = true}
      %dma_start3A_239 = arith.constant 0 : i32
      %dma_start3A_240 = tpu.memref_slice %arg11[%sub3A_226, %dma_start3A_239] : memref<56x128xi32, #tpu.memory_space<vmem>> -> memref<1x128xi32, #tpu.memory_space<vmem>>
      %dma_start3A_241 = tpu.memref_squeeze %dma_start3A_240 : memref<1x128xi32, #tpu.memory_space<vmem>> -> memref<128xi32, #tpu.memory_space<vmem>>
      %dma_start3A_242 = arith.constant 0 : i32
      %dma_start3A_243 = arith.constant 0 : i32
      %dma_start3A_244 = tpu.memref_slice %arg5[%dma_start3A_242, %dma_start3A_243] : memref<160000x128xf32, #tpu.memory_space<hbm>> -> memref<160000x128xf32, #tpu.memory_space<hbm>>
      tpu.enqueue_indirect_dma source(%dma_start3A_244 : memref<160000x128xf32, #tpu.memory_space<hbm>>) target(%arg13 : memref<128x128xf32, #tpu.memory_space<vmem>>) offsets(%dma_start3A_241 : memref<128xi32, #tpu.memory_space<vmem>>) semaphore(%arg17 : memref<!tpu.dma_semaphore, #tpu.memory_space<semaphore_mem>>) {add = true}
      %dma_wait3A_245 = arith.constant 0 : i32
      %dma_wait3A_246 = arith.constant 0 : i32
      %dma_wait3A_247 = tpu.memref_slice %arg8[%dma_wait3A_245, %dma_wait3A_246] : memref<56x128xi32, #tpu.memory_space<vmem>> -> memref<1x128xi32, #tpu.memory_space<vmem>>
      %dma_wait3A_248 = tpu.memref_squeeze %dma_wait3A_247 : memref<1x128xi32, #tpu.memory_space<vmem>> -> memref<128xi32, #tpu.memory_space<vmem>>
      %dma_wait3A_249 = arith.constant 0 : i32
      %dma_wait3A_250 = arith.constant 0 : i32
      %dma_wait3A_251 = tpu.memref_slice %arg2[%dma_wait3A_249, %dma_wait3A_250] : memref<160000x128xf32, #tpu.memory_space<hbm>> -> memref<160000x128xf32, #tpu.memory_space<hbm>>
      tpu.wait_indirect_dma semaphore(%arg16 : memref<!tpu.dma_semaphore, #tpu.memory_space<semaphore_mem>>) src(%dma_wait3A_251 : memref<160000x128xf32, #tpu.memory_space<hbm>>) dst(%arg12 : memref<128x128xf32, #tpu.memory_space<vmem>>)
      %dma_wait3A_252 = arith.constant 0 : i32
      %dma_wait3A_253 = arith.constant 0 : i32
      %dma_wait3A_254 = tpu.memref_slice %arg8[%dma_wait3A_252, %dma_wait3A_253] : memref<56x128xi32, #tpu.memory_space<vmem>> -> memref<1x128xi32, #tpu.memory_space<vmem>>
      %dma_wait3A_255 = tpu.memref_squeeze %dma_wait3A_254 : memref<1x128xi32, #tpu.memory_space<vmem>> -> memref<128xi32, #tpu.memory_space<vmem>>
      %dma_wait3A_256 = arith.constant 0 : i32
      %dma_wait3A_257 = arith.constant 0 : i32
      %dma_wait3A_258 = tpu.memref_slice %arg2[%dma_wait3A_256, %dma_wait3A_257] : memref<160000x128xf32, #tpu.memory_space<hbm>> -> memref<160000x128xf32, #tpu.memory_space<hbm>>
      tpu.wait_indirect_dma semaphore(%arg16 : memref<!tpu.dma_semaphore, #tpu.memory_space<semaphore_mem>>) src(%dma_wait3A_258 : memref<160000x128xf32, #tpu.memory_space<hbm>>) dst(%arg12 : memref<128x128xf32, #tpu.memory_space<vmem>>)
      %dma_wait3A_259 = arith.constant 0 : i32
      %dma_wait3A_260 = arith.constant 0 : i32
      %dma_wait3A_261 = tpu.memref_slice %arg8[%dma_wait3A_259, %dma_wait3A_260] : memref<56x128xi32, #tpu.memory_space<vmem>> -> memref<1x128xi32, #tpu.memory_space<vmem>>
      %dma_wait3A_262 = tpu.memref_squeeze %dma_wait3A_261 : memref<1x128xi32, #tpu.memory_space<vmem>> -> memref<128xi32, #tpu.memory_space<vmem>>
      %dma_wait3A_263 = arith.constant 0 : i32
      %dma_wait3A_264 = arith.constant 0 : i32
      %dma_wait3A_265 = tpu.memref_slice %arg2[%dma_wait3A_263, %dma_wait3A_264] : memref<160000x128xf32, #tpu.memory_space<hbm>> -> memref<160000x128xf32, #tpu.memory_space<hbm>>
      tpu.wait_indirect_dma semaphore(%arg16 : memref<!tpu.dma_semaphore, #tpu.memory_space<semaphore_mem>>) src(%dma_wait3A_265 : memref<160000x128xf32, #tpu.memory_space<hbm>>) dst(%arg12 : memref<128x128xf32, #tpu.memory_space<vmem>>)
      %sub3A_266 = arith.constant 2 : i32
      %sub3A_267 = arith.subi %add3A_206, %sub3A_266 : i32
      %mul3A_268 = arith.constant 128 : i32
      %mul3A_269 = arith.muli %sub3A_267, %mul3A_268 : i32
      %add3A_270 = arith.addi %mul3A_9, %mul3A_269 : i32
      %dma_start3A_271 = arith.constant 0 : i32
      %dma_start3A_272 = tpu.memref_slice %arg7[%add3A_270, %dma_start3A_271] : memref<163840x128xf32, #tpu.memory_space<hbm>> -> memref<128x128xf32, #tpu.memory_space<hbm>>
      %dma_start3A_273 = arith.constant 0 : i32
      %dma_start3A_274 = tpu.memref_slice %arg7[%add3A_270, %dma_start3A_273] : memref<163840x128xf32, #tpu.memory_space<hbm>> -> memref<128x128xf32, #tpu.memory_space<hbm>>
      tpu.enqueue_dma source(%arg12 : memref<128x128xf32, #tpu.memory_space<vmem>>) target(%dma_start3A_274 : memref<128x128xf32, #tpu.memory_space<hbm>>) target_semaphore(%arg16 : memref<!tpu.dma_semaphore, #tpu.memory_space<semaphore_mem>>)
      %mul3A_275 = arith.constant 4 : i32
      %mul3A_276 = arith.muli %mul3A_275, %while3A_130 : i32
      %add3A_277 = arith.constant 3 : i32
      %add3A_278 = arith.addi %mul3A_276, %add3A_277 : i32
      %ge3A_279 = arith.constant 1 : i32
      %ge3A_280 = arith.cmpi sge, %while3A_130, %ge3A_279 : i32
      %convert_element_type3A_281 = arith.extui %ge3A_280 : i1 to i32
      %cond3A_282 = arith.constant 0 : i32
      %cond3A_283 = arith.cmpi ne, %convert_element_type3A_281, %cond3A_282 : i32
      scf.if %cond3A_283 {
        %dma_wait3A_348 = arith.constant 0 : i32
        %dma_wait3A_349 = tpu.memref_slice %arg7[%mul3A_9, %dma_wait3A_348] : memref<163840x128xf32, #tpu.memory_space<hbm>> -> memref<128x128xf32, #tpu.memory_space<hbm>>
        %dma_wait3A_350 = arith.constant 0 : i32
        %dma_wait3A_351 = tpu.memref_slice %arg7[%mul3A_9, %dma_wait3A_350] : memref<163840x128xf32, #tpu.memory_space<hbm>> -> memref<128x128xf32, #tpu.memory_space<hbm>>
        tpu.wait_dma2 semaphore(%arg19 : memref<!tpu.dma_semaphore, #tpu.memory_space<semaphore_mem>>) src(%arg15 : memref<128x128xf32, #tpu.memory_space<vmem>>) dst(%dma_wait3A_351 : memref<128x128xf32, #tpu.memory_space<hbm>>)
      } else {
      }
      %dma_start3A_284 = arith.constant 0 : i32
      %dma_start3A_285 = tpu.memref_slice %arg8[%add3A_278, %dma_start3A_284] : memref<56x128xi32, #tpu.memory_space<vmem>> -> memref<1x128xi32, #tpu.memory_space<vmem>>
      %dma_start3A_286 = tpu.memref_squeeze %dma_start3A_285 : memref<1x128xi32, #tpu.memory_space<vmem>> -> memref<128xi32, #tpu.memory_space<vmem>>
      %dma_start3A_287 = arith.constant 0 : i32
      %dma_start3A_288 = arith.constant 0 : i32
      %dma_start3A_289 = tpu.memref_slice %arg2[%dma_start3A_287, %dma_start3A_288] : memref<160000x128xf32, #tpu.memory_space<hbm>> -> memref<160000x128xf32, #tpu.memory_space<hbm>>
      tpu.enqueue_indirect_dma source(%dma_start3A_289 : memref<160000x128xf32, #tpu.memory_space<hbm>>) target(%arg15 : memref<128x128xf32, #tpu.memory_space<vmem>>) offsets(%dma_start3A_286 : memref<128xi32, #tpu.memory_space<vmem>>) semaphore(%arg19 : memref<!tpu.dma_semaphore, #tpu.memory_space<semaphore_mem>>)
      %dma_wait3A_290 = arith.constant 0 : i32
      %dma_wait3A_291 = arith.constant 0 : i32
      %dma_wait3A_292 = tpu.memref_slice %arg8[%dma_wait3A_290, %dma_wait3A_291] : memref<56x128xi32, #tpu.memory_space<vmem>> -> memref<1x128xi32, #tpu.memory_space<vmem>>
      %dma_wait3A_293 = tpu.memref_squeeze %dma_wait3A_292 : memref<1x128xi32, #tpu.memory_space<vmem>> -> memref<128xi32, #tpu.memory_space<vmem>>
      %dma_wait3A_294 = arith.constant 0 : i32
      %dma_wait3A_295 = arith.constant 0 : i32
      %dma_wait3A_296 = tpu.memref_slice %arg2[%dma_wait3A_294, %dma_wait3A_295] : memref<160000x128xf32, #tpu.memory_space<hbm>> -> memref<160000x128xf32, #tpu.memory_space<hbm>>
      tpu.wait_indirect_dma semaphore(%arg18 : memref<!tpu.dma_semaphore, #tpu.memory_space<semaphore_mem>>) src(%dma_wait3A_296 : memref<160000x128xf32, #tpu.memory_space<hbm>>) dst(%arg14 : memref<128x128xf32, #tpu.memory_space<vmem>>)
      %sub3A_297 = arith.constant 1 : i32
      %sub3A_298 = arith.subi %add3A_278, %sub3A_297 : i32
      %dma_start3A_299 = arith.constant 0 : i32
      %dma_start3A_300 = tpu.memref_slice %arg9[%sub3A_298, %dma_start3A_299] : memref<56x128xi32, #tpu.memory_space<vmem>> -> memref<1x128xi32, #tpu.memory_space<vmem>>
      %dma_start3A_301 = tpu.memref_squeeze %dma_start3A_300 : memref<1x128xi32, #tpu.memory_space<vmem>> -> memref<128xi32, #tpu.memory_space<vmem>>
      %dma_start3A_302 = arith.constant 0 : i32
      %dma_start3A_303 = arith.constant 0 : i32
      %dma_start3A_304 = tpu.memref_slice %arg3[%dma_start3A_302, %dma_start3A_303] : memref<160000x128xf32, #tpu.memory_space<hbm>> -> memref<160000x128xf32, #tpu.memory_space<hbm>>
      tpu.enqueue_indirect_dma source(%dma_start3A_304 : memref<160000x128xf32, #tpu.memory_space<hbm>>) target(%arg14 : memref<128x128xf32, #tpu.memory_space<vmem>>) offsets(%dma_start3A_301 : memref<128xi32, #tpu.memory_space<vmem>>) semaphore(%arg18 : memref<!tpu.dma_semaphore, #tpu.memory_space<semaphore_mem>>) {add = true}
      %dma_start3A_305 = arith.constant 0 : i32
      %dma_start3A_306 = tpu.memref_slice %arg10[%sub3A_298, %dma_start3A_305] : memref<56x128xi32, #tpu.memory_space<vmem>> -> memref<1x128xi32, #tpu.memory_space<vmem>>
      %dma_start3A_307 = tpu.memref_squeeze %dma_start3A_306 : memref<1x128xi32, #tpu.memory_space<vmem>> -> memref<128xi32, #tpu.memory_space<vmem>>
      %dma_start3A_308 = arith.constant 0 : i32
      %dma_start3A_309 = arith.constant 0 : i32
      %dma_start3A_310 = tpu.memref_slice %arg4[%dma_start3A_308, %dma_start3A_309] : memref<160000x128xf32, #tpu.memory_space<hbm>> -> memref<160000x128xf32, #tpu.memory_space<hbm>>
      tpu.enqueue_indirect_dma source(%dma_start3A_310 : memref<160000x128xf32, #tpu.memory_space<hbm>>) target(%arg14 : memref<128x128xf32, #tpu.memory_space<vmem>>) offsets(%dma_start3A_307 : memref<128xi32, #tpu.memory_space<vmem>>) semaphore(%arg18 : memref<!tpu.dma_semaphore, #tpu.memory_space<semaphore_mem>>) {add = true}
      %dma_start3A_311 = arith.constant 0 : i32
      %dma_start3A_312 = tpu.memref_slice %arg11[%sub3A_298, %dma_start3A_311] : memref<56x128xi32, #tpu.memory_space<vmem>> -> memref<1x128xi32, #tpu.memory_space<vmem>>
      %dma_start3A_313 = tpu.memref_squeeze %dma_start3A_312 : memref<1x128xi32, #tpu.memory_space<vmem>> -> memref<128xi32, #tpu.memory_space<vmem>>
      %dma_start3A_314 = arith.constant 0 : i32
      %dma_start3A_315 = arith.constant 0 : i32
      %dma_start3A_316 = tpu.memref_slice %arg5[%dma_start3A_314, %dma_start3A_315] : memref<160000x128xf32, #tpu.memory_space<hbm>> -> memref<160000x128xf32, #tpu.memory_space<hbm>>
      tpu.enqueue_indirect_dma source(%dma_start3A_316 : memref<160000x128xf32, #tpu.memory_space<hbm>>) target(%arg14 : memref<128x128xf32, #tpu.memory_space<vmem>>) offsets(%dma_start3A_313 : memref<128xi32, #tpu.memory_space<vmem>>) semaphore(%arg18 : memref<!tpu.dma_semaphore, #tpu.memory_space<semaphore_mem>>) {add = true}
      %dma_wait3A_317 = arith.constant 0 : i32
      %dma_wait3A_318 = arith.constant 0 : i32
      %dma_wait3A_319 = tpu.memref_slice %arg8[%dma_wait3A_317, %dma_wait3A_318] : memref<56x128xi32, #tpu.memory_space<vmem>> -> memref<1x128xi32, #tpu.memory_space<vmem>>
      %dma_wait3A_320 = tpu.memref_squeeze %dma_wait3A_319 : memref<1x128xi32, #tpu.memory_space<vmem>> -> memref<128xi32, #tpu.memory_space<vmem>>
      %dma_wait3A_321 = arith.constant 0 : i32
      %dma_wait3A_322 = arith.constant 0 : i32
      %dma_wait3A_323 = tpu.memref_slice %arg2[%dma_wait3A_321, %dma_wait3A_322] : memref<160000x128xf32, #tpu.memory_space<hbm>> -> memref<160000x128xf32, #tpu.memory_space<hbm>>
      tpu.wait_indirect_dma semaphore(%arg17 : memref<!tpu.dma_semaphore, #tpu.memory_space<semaphore_mem>>) src(%dma_wait3A_323 : memref<160000x128xf32, #tpu.memory_space<hbm>>) dst(%arg13 : memref<128x128xf32, #tpu.memory_space<vmem>>)
      %dma_wait3A_324 = arith.constant 0 : i32
      %dma_wait3A_325 = arith.constant 0 : i32
      %dma_wait3A_326 = tpu.memref_slice %arg8[%dma_wait3A_324, %dma_wait3A_325] : memref<56x128xi32, #tpu.memory_space<vmem>> -> memref<1x128xi32, #tpu.memory_space<vmem>>
      %dma_wait3A_327 = tpu.memref_squeeze %dma_wait3A_326 : memref<1x128xi32, #tpu.memory_space<vmem>> -> memref<128xi32, #tpu.memory_space<vmem>>
      %dma_wait3A_328 = arith.constant 0 : i32
      %dma_wait3A_329 = arith.constant 0 : i32
      %dma_wait3A_330 = tpu.memref_slice %arg2[%dma_wait3A_328, %dma_wait3A_329] : memref<160000x128xf32, #tpu.memory_space<hbm>> -> memref<160000x128xf32, #tpu.memory_space<hbm>>
      tpu.wait_indirect_dma semaphore(%arg17 : memref<!tpu.dma_semaphore, #tpu.memory_space<semaphore_mem>>) src(%dma_wait3A_330 : memref<160000x128xf32, #tpu.memory_space<hbm>>) dst(%arg13 : memref<128x128xf32, #tpu.memory_space<vmem>>)
      %dma_wait3A_331 = arith.constant 0 : i32
      %dma_wait3A_332 = arith.constant 0 : i32
      %dma_wait3A_333 = tpu.memref_slice %arg8[%dma_wait3A_331, %dma_wait3A_332] : memref<56x128xi32, #tpu.memory_space<vmem>> -> memref<1x128xi32, #tpu.memory_space<vmem>>
      %dma_wait3A_334 = tpu.memref_squeeze %dma_wait3A_333 : memref<1x128xi32, #tpu.memory_space<vmem>> -> memref<128xi32, #tpu.memory_space<vmem>>
      %dma_wait3A_335 = arith.constant 0 : i32
      %dma_wait3A_336 = arith.constant 0 : i32
      %dma_wait3A_337 = tpu.memref_slice %arg2[%dma_wait3A_335, %dma_wait3A_336] : memref<160000x128xf32, #tpu.memory_space<hbm>> -> memref<160000x128xf32, #tpu.memory_space<hbm>>
      tpu.wait_indirect_dma semaphore(%arg17 : memref<!tpu.dma_semaphore, #tpu.memory_space<semaphore_mem>>) src(%dma_wait3A_337 : memref<160000x128xf32, #tpu.memory_space<hbm>>) dst(%arg13 : memref<128x128xf32, #tpu.memory_space<vmem>>)
      %sub3A_338 = arith.constant 2 : i32
      %sub3A_339 = arith.subi %add3A_278, %sub3A_338 : i32
      %mul3A_340 = arith.constant 128 : i32
      %mul3A_341 = arith.muli %sub3A_339, %mul3A_340 : i32
      %add3A_342 = arith.addi %mul3A_9, %mul3A_341 : i32
      %dma_start3A_343 = arith.constant 0 : i32
      %dma_start3A_344 = tpu.memref_slice %arg7[%add3A_342, %dma_start3A_343] : memref<163840x128xf32, #tpu.memory_space<hbm>> -> memref<128x128xf32, #tpu.memory_space<hbm>>
      %dma_start3A_345 = arith.constant 0 : i32
      %dma_start3A_346 = tpu.memref_slice %arg7[%add3A_342, %dma_start3A_345] : memref<163840x128xf32, #tpu.memory_space<hbm>> -> memref<128x128xf32, #tpu.memory_space<hbm>>
      tpu.enqueue_dma source(%arg13 : memref<128x128xf32, #tpu.memory_space<vmem>>) target(%dma_start3A_346 : memref<128x128xf32, #tpu.memory_space<hbm>>) target_semaphore(%arg17 : memref<!tpu.dma_semaphore, #tpu.memory_space<semaphore_mem>>)
      %while3A_347 = arith.constant 0 : i32
      scf.yield %while3A_347 : i32
    }
    %mul3A_28 = arith.constant 4 : i32
    %mul3A_29 = arith.muli %select_n3A_7, %mul3A_28 : i32
    %dma_wait3A = arith.constant 0 : i32
    %dma_wait3A_30 = arith.constant 0 : i32
    %dma_wait3A_31 = tpu.memref_slice %arg8[%dma_wait3A, %dma_wait3A_30] : memref<56x128xi32, #tpu.memory_space<vmem>> -> memref<1x128xi32, #tpu.memory_space<vmem>>
    %dma_wait3A_32 = tpu.memref_squeeze %dma_wait3A_31 : memref<1x128xi32, #tpu.memory_space<vmem>> -> memref<128xi32, #tpu.memory_space<vmem>>
    %dma_wait3A_33 = arith.constant 0 : i32
    %dma_wait3A_34 = arith.constant 0 : i32
    %dma_wait3A_35 = tpu.memref_slice %arg2[%dma_wait3A_33, %dma_wait3A_34] : memref<160000x128xf32, #tpu.memory_space<hbm>> -> memref<160000x128xf32, #tpu.memory_space<hbm>>
    tpu.wait_indirect_dma semaphore(%arg19 : memref<!tpu.dma_semaphore, #tpu.memory_space<semaphore_mem>>) src(%dma_wait3A_35 : memref<160000x128xf32, #tpu.memory_space<hbm>>) dst(%arg15 : memref<128x128xf32, #tpu.memory_space<vmem>>)
    %sub3A = arith.constant 1 : i32
    %sub3A_36 = arith.subi %mul3A_29, %sub3A : i32
    %dma_start3A = arith.constant 0 : i32
    %dma_start3A_37 = tpu.memref_slice %arg9[%sub3A_36, %dma_start3A] : memref<56x128xi32, #tpu.memory_space<vmem>> -> memref<1x128xi32, #tpu.memory_space<vmem>>
    %dma_start3A_38 = tpu.memref_squeeze %dma_start3A_37 : memref<1x128xi32, #tpu.memory_space<vmem>> -> memref<128xi32, #tpu.memory_space<vmem>>
    %dma_start3A_39 = arith.constant 0 : i32
    %dma_start3A_40 = arith.constant 0 : i32
    %dma_start3A_41 = tpu.memref_slice %arg3[%dma_start3A_39, %dma_start3A_40] : memref<160000x128xf32, #tpu.memory_space<hbm>> -> memref<160000x128xf32, #tpu.memory_space<hbm>>
    tpu.enqueue_indirect_dma source(%dma_start3A_41 : memref<160000x128xf32, #tpu.memory_space<hbm>>) target(%arg15 : memref<128x128xf32, #tpu.memory_space<vmem>>) offsets(%dma_start3A_38 : memref<128xi32, #tpu.memory_space<vmem>>) semaphore(%arg19 : memref<!tpu.dma_semaphore, #tpu.memory_space<semaphore_mem>>) {add = true}
    %dma_start3A_42 = arith.constant 0 : i32
    %dma_start3A_43 = tpu.memref_slice %arg10[%sub3A_36, %dma_start3A_42] : memref<56x128xi32, #tpu.memory_space<vmem>> -> memref<1x128xi32, #tpu.memory_space<vmem>>
    %dma_start3A_44 = tpu.memref_squeeze %dma_start3A_43 : memref<1x128xi32, #tpu.memory_space<vmem>> -> memref<128xi32, #tpu.memory_space<vmem>>
    %dma_start3A_45 = arith.constant 0 : i32
    %dma_start3A_46 = arith.constant 0 : i32
    %dma_start3A_47 = tpu.memref_slice %arg4[%dma_start3A_45, %dma_start3A_46] : memref<160000x128xf32, #tpu.memory_space<hbm>> -> memref<160000x128xf32, #tpu.memory_space<hbm>>
    tpu.enqueue_indirect_dma source(%dma_start3A_47 : memref<160000x128xf32, #tpu.memory_space<hbm>>) target(%arg15 : memref<128x128xf32, #tpu.memory_space<vmem>>) offsets(%dma_start3A_44 : memref<128xi32, #tpu.memory_space<vmem>>) semaphore(%arg19 : memref<!tpu.dma_semaphore, #tpu.memory_space<semaphore_mem>>) {add = true}
    %dma_start3A_48 = arith.constant 0 : i32
    %dma_start3A_49 = tpu.memref_slice %arg11[%sub3A_36, %dma_start3A_48] : memref<56x128xi32, #tpu.memory_space<vmem>> -> memref<1x128xi32, #tpu.memory_space<vmem>>
    %dma_start3A_50 = tpu.memref_squeeze %dma_start3A_49 : memref<1x128xi32, #tpu.memory_space<vmem>> -> memref<128xi32, #tpu.memory_space<vmem>>
    %dma_start3A_51 = arith.constant 0 : i32
    %dma_start3A_52 = arith.constant 0 : i32
    %dma_start3A_53 = tpu.memref_slice %arg5[%dma_start3A_51, %dma_start3A_52] : memref<160000x128xf32, #tpu.memory_space<hbm>> -> memref<160000x128xf32, #tpu.memory_space<hbm>>
    tpu.enqueue_indirect_dma source(%dma_start3A_53 : memref<160000x128xf32, #tpu.memory_space<hbm>>) target(%arg15 : memref<128x128xf32, #tpu.memory_space<vmem>>) offsets(%dma_start3A_50 : memref<128xi32, #tpu.memory_space<vmem>>) semaphore(%arg19 : memref<!tpu.dma_semaphore, #tpu.memory_space<semaphore_mem>>) {add = true}
    %dma_wait3A_54 = arith.constant 0 : i32
    %dma_wait3A_55 = arith.constant 0 : i32
    %dma_wait3A_56 = tpu.memref_slice %arg8[%dma_wait3A_54, %dma_wait3A_55] : memref<56x128xi32, #tpu.memory_space<vmem>> -> memref<1x128xi32, #tpu.memory_space<vmem>>
    %dma_wait3A_57 = tpu.memref_squeeze %dma_wait3A_56 : memref<1x128xi32, #tpu.memory_space<vmem>> -> memref<128xi32, #tpu.memory_space<vmem>>
    %dma_wait3A_58 = arith.constant 0 : i32
    %dma_wait3A_59 = arith.constant 0 : i32
    %dma_wait3A_60 = tpu.memref_slice %arg2[%dma_wait3A_58, %dma_wait3A_59] : memref<160000x128xf32, #tpu.memory_space<hbm>> -> memref<160000x128xf32, #tpu.memory_space<hbm>>
    tpu.wait_indirect_dma semaphore(%arg18 : memref<!tpu.dma_semaphore, #tpu.memory_space<semaphore_mem>>) src(%dma_wait3A_60 : memref<160000x128xf32, #tpu.memory_space<hbm>>) dst(%arg14 : memref<128x128xf32, #tpu.memory_space<vmem>>)
    %dma_wait3A_61 = arith.constant 0 : i32
    %dma_wait3A_62 = arith.constant 0 : i32
    %dma_wait3A_63 = tpu.memref_slice %arg8[%dma_wait3A_61, %dma_wait3A_62] : memref<56x128xi32, #tpu.memory_space<vmem>> -> memref<1x128xi32, #tpu.memory_space<vmem>>
    %dma_wait3A_64 = tpu.memref_squeeze %dma_wait3A_63 : memref<1x128xi32, #tpu.memory_space<vmem>> -> memref<128xi32, #tpu.memory_space<vmem>>
    %dma_wait3A_65 = arith.constant 0 : i32
    %dma_wait3A_66 = arith.constant 0 : i32
    %dma_wait3A_67 = tpu.memref_slice %arg2[%dma_wait3A_65, %dma_wait3A_66] : memref<160000x128xf32, #tpu.memory_space<hbm>> -> memref<160000x128xf32, #tpu.memory_space<hbm>>
    tpu.wait_indirect_dma semaphore(%arg18 : memref<!tpu.dma_semaphore, #tpu.memory_space<semaphore_mem>>) src(%dma_wait3A_67 : memref<160000x128xf32, #tpu.memory_space<hbm>>) dst(%arg14 : memref<128x128xf32, #tpu.memory_space<vmem>>)
    %dma_wait3A_68 = arith.constant 0 : i32
    %dma_wait3A_69 = arith.constant 0 : i32
    %dma_wait3A_70 = tpu.memref_slice %arg8[%dma_wait3A_68, %dma_wait3A_69] : memref<56x128xi32, #tpu.memory_space<vmem>> -> memref<1x128xi32, #tpu.memory_space<vmem>>
    %dma_wait3A_71 = tpu.memref_squeeze %dma_wait3A_70 : memref<1x128xi32, #tpu.memory_space<vmem>> -> memref<128xi32, #tpu.memory_space<vmem>>
    %dma_wait3A_72 = arith.constant 0 : i32
    %dma_wait3A_73 = arith.constant 0 : i32
    %dma_wait3A_74 = tpu.memref_slice %arg2[%dma_wait3A_72, %dma_wait3A_73] : memref<160000x128xf32, #tpu.memory_space<hbm>> -> memref<160000x128xf32, #tpu.memory_space<hbm>>
    tpu.wait_indirect_dma semaphore(%arg18 : memref<!tpu.dma_semaphore, #tpu.memory_space<semaphore_mem>>) src(%dma_wait3A_74 : memref<160000x128xf32, #tpu.memory_space<hbm>>) dst(%arg14 : memref<128x128xf32, #tpu.memory_space<vmem>>)
    %sub3A_75 = arith.constant 2 : i32
    %sub3A_76 = arith.subi %mul3A_29, %sub3A_75 : i32
    %mul3A_77 = arith.constant 128 : i32
    %mul3A_78 = arith.muli %sub3A_76, %mul3A_77 : i32
    %add3A_79 = arith.addi %mul3A_9, %mul3A_78 : i32
    %dma_start3A_80 = arith.constant 0 : i32
    %dma_start3A_81 = tpu.memref_slice %arg7[%add3A_79, %dma_start3A_80] : memref<163840x128xf32, #tpu.memory_space<hbm>> -> memref<128x128xf32, #tpu.memory_space<hbm>>
    %dma_start3A_82 = arith.constant 0 : i32
    %dma_start3A_83 = tpu.memref_slice %arg7[%add3A_79, %dma_start3A_82] : memref<163840x128xf32, #tpu.memory_space<hbm>> -> memref<128x128xf32, #tpu.memory_space<hbm>>
    tpu.enqueue_dma source(%arg14 : memref<128x128xf32, #tpu.memory_space<vmem>>) target(%dma_start3A_83 : memref<128x128xf32, #tpu.memory_space<hbm>>) target_semaphore(%arg18 : memref<!tpu.dma_semaphore, #tpu.memory_space<semaphore_mem>>)
    %dma_wait3A_84 = arith.constant 0 : i32
    %dma_wait3A_85 = arith.constant 0 : i32
    %dma_wait3A_86 = tpu.memref_slice %arg8[%dma_wait3A_84, %dma_wait3A_85] : memref<56x128xi32, #tpu.memory_space<vmem>> -> memref<1x128xi32, #tpu.memory_space<vmem>>
    %dma_wait3A_87 = tpu.memref_squeeze %dma_wait3A_86 : memref<1x128xi32, #tpu.memory_space<vmem>> -> memref<128xi32, #tpu.memory_space<vmem>>
    %dma_wait3A_88 = arith.constant 0 : i32
    %dma_wait3A_89 = arith.constant 0 : i32
    %dma_wait3A_90 = tpu.memref_slice %arg2[%dma_wait3A_88, %dma_wait3A_89] : memref<160000x128xf32, #tpu.memory_space<hbm>> -> memref<160000x128xf32, #tpu.memory_space<hbm>>
    tpu.wait_indirect_dma semaphore(%arg19 : memref<!tpu.dma_semaphore, #tpu.memory_space<semaphore_mem>>) src(%dma_wait3A_90 : memref<160000x128xf32, #tpu.memory_space<hbm>>) dst(%arg15 : memref<128x128xf32, #tpu.memory_space<vmem>>)
    %dma_wait3A_91 = arith.constant 0 : i32
    %dma_wait3A_92 = arith.constant 0 : i32
    %dma_wait3A_93 = tpu.memref_slice %arg8[%dma_wait3A_91, %dma_wait3A_92] : memref<56x128xi32, #tpu.memory_space<vmem>> -> memref<1x128xi32, #tpu.memory_space<vmem>>
    %dma_wait3A_94 = tpu.memref_squeeze %dma_wait3A_93 : memref<1x128xi32, #tpu.memory_space<vmem>> -> memref<128xi32, #tpu.memory_space<vmem>>
    %dma_wait3A_95 = arith.constant 0 : i32
    %dma_wait3A_96 = arith.constant 0 : i32
    %dma_wait3A_97 = tpu.memref_slice %arg2[%dma_wait3A_95, %dma_wait3A_96] : memref<160000x128xf32, #tpu.memory_space<hbm>> -> memref<160000x128xf32, #tpu.memory_space<hbm>>
    tpu.wait_indirect_dma semaphore(%arg19 : memref<!tpu.dma_semaphore, #tpu.memory_space<semaphore_mem>>) src(%dma_wait3A_97 : memref<160000x128xf32, #tpu.memory_space<hbm>>) dst(%arg15 : memref<128x128xf32, #tpu.memory_space<vmem>>)
    %dma_wait3A_98 = arith.constant 0 : i32
    %dma_wait3A_99 = arith.constant 0 : i32
    %dma_wait3A_100 = tpu.memref_slice %arg8[%dma_wait3A_98, %dma_wait3A_99] : memref<56x128xi32, #tpu.memory_space<vmem>> -> memref<1x128xi32, #tpu.memory_space<vmem>>
    %dma_wait3A_101 = tpu.memref_squeeze %dma_wait3A_100 : memref<1x128xi32, #tpu.memory_space<vmem>> -> memref<128xi32, #tpu.memory_space<vmem>>
    %dma_wait3A_102 = arith.constant 0 : i32
    %dma_wait3A_103 = arith.constant 0 : i32
    %dma_wait3A_104 = tpu.memref_slice %arg2[%dma_wait3A_102, %dma_wait3A_103] : memref<160000x128xf32, #tpu.memory_space<hbm>> -> memref<160000x128xf32, #tpu.memory_space<hbm>>
    tpu.wait_indirect_dma semaphore(%arg19 : memref<!tpu.dma_semaphore, #tpu.memory_space<semaphore_mem>>) src(%dma_wait3A_104 : memref<160000x128xf32, #tpu.memory_space<hbm>>) dst(%arg15 : memref<128x128xf32, #tpu.memory_space<vmem>>)
    %sub3A_105 = arith.constant 1 : i32
    %sub3A_106 = arith.subi %mul3A_29, %sub3A_105 : i32
    %mul3A_107 = arith.constant 128 : i32
    %mul3A_108 = arith.muli %sub3A_106, %mul3A_107 : i32
    %add3A_109 = arith.addi %mul3A_9, %mul3A_108 : i32
    %dma_start3A_110 = arith.constant 0 : i32
    %dma_start3A_111 = tpu.memref_slice %arg7[%add3A_109, %dma_start3A_110] : memref<163840x128xf32, #tpu.memory_space<hbm>> -> memref<128x128xf32, #tpu.memory_space<hbm>>
    %dma_start3A_112 = arith.constant 0 : i32
    %dma_start3A_113 = tpu.memref_slice %arg7[%add3A_109, %dma_start3A_112] : memref<163840x128xf32, #tpu.memory_space<hbm>> -> memref<128x128xf32, #tpu.memory_space<hbm>>
    tpu.enqueue_dma source(%arg15 : memref<128x128xf32, #tpu.memory_space<vmem>>) target(%dma_start3A_113 : memref<128x128xf32, #tpu.memory_space<hbm>>) target_semaphore(%arg19 : memref<!tpu.dma_semaphore, #tpu.memory_space<semaphore_mem>>)
    %dma_wait3A_114 = arith.constant 0 : i32
    %dma_wait3A_115 = tpu.memref_slice %arg7[%mul3A_9, %dma_wait3A_114] : memref<163840x128xf32, #tpu.memory_space<hbm>> -> memref<128x128xf32, #tpu.memory_space<hbm>>
    %dma_wait3A_116 = arith.constant 0 : i32
    %dma_wait3A_117 = tpu.memref_slice %arg7[%mul3A_9, %dma_wait3A_116] : memref<163840x128xf32, #tpu.memory_space<hbm>> -> memref<128x128xf32, #tpu.memory_space<hbm>>
    tpu.wait_dma2 semaphore(%arg16 : memref<!tpu.dma_semaphore, #tpu.memory_space<semaphore_mem>>) src(%arg12 : memref<128x128xf32, #tpu.memory_space<vmem>>) dst(%dma_wait3A_117 : memref<128x128xf32, #tpu.memory_space<hbm>>)
    %dma_wait3A_118 = arith.constant 0 : i32
    %dma_wait3A_119 = tpu.memref_slice %arg7[%mul3A_9, %dma_wait3A_118] : memref<163840x128xf32, #tpu.memory_space<hbm>> -> memref<128x128xf32, #tpu.memory_space<hbm>>
    %dma_wait3A_120 = arith.constant 0 : i32
    %dma_wait3A_121 = tpu.memref_slice %arg7[%mul3A_9, %dma_wait3A_120] : memref<163840x128xf32, #tpu.memory_space<hbm>> -> memref<128x128xf32, #tpu.memory_space<hbm>>
    tpu.wait_dma2 semaphore(%arg17 : memref<!tpu.dma_semaphore, #tpu.memory_space<semaphore_mem>>) src(%arg13 : memref<128x128xf32, #tpu.memory_space<vmem>>) dst(%dma_wait3A_121 : memref<128x128xf32, #tpu.memory_space<hbm>>)
    %dma_wait3A_122 = arith.constant 0 : i32
    %dma_wait3A_123 = tpu.memref_slice %arg7[%mul3A_9, %dma_wait3A_122] : memref<163840x128xf32, #tpu.memory_space<hbm>> -> memref<128x128xf32, #tpu.memory_space<hbm>>
    %dma_wait3A_124 = arith.constant 0 : i32
    %dma_wait3A_125 = tpu.memref_slice %arg7[%mul3A_9, %dma_wait3A_124] : memref<163840x128xf32, #tpu.memory_space<hbm>> -> memref<128x128xf32, #tpu.memory_space<hbm>>
    tpu.wait_dma2 semaphore(%arg18 : memref<!tpu.dma_semaphore, #tpu.memory_space<semaphore_mem>>) src(%arg14 : memref<128x128xf32, #tpu.memory_space<vmem>>) dst(%dma_wait3A_125 : memref<128x128xf32, #tpu.memory_space<hbm>>)
    %dma_wait3A_126 = arith.constant 0 : i32
    %dma_wait3A_127 = tpu.memref_slice %arg7[%mul3A_9, %dma_wait3A_126] : memref<163840x128xf32, #tpu.memory_space<hbm>> -> memref<128x128xf32, #tpu.memory_space<hbm>>
    %dma_wait3A_128 = arith.constant 0 : i32
    %dma_wait3A_129 = tpu.memref_slice %arg7[%mul3A_9, %dma_wait3A_128] : memref<163840x128xf32, #tpu.memory_space<hbm>> -> memref<128x128xf32, #tpu.memory_space<hbm>>
    tpu.wait_dma2 semaphore(%arg19 : memref<!tpu.dma_semaphore, #tpu.memory_space<semaphore_mem>>) src(%arg15 : memref<128x128xf32, #tpu.memory_space<vmem>>) dst(%dma_wait3A_129 : memref<128x128xf32, #tpu.memory_space<hbm>>)
    return
  }
}

module attributes {stable_mosaic.version = 14 : i64} {
  func.func @_p1_body(%arg0: i32, %arg1: memref<128x3200xf32, #tpu.memory_space<vmem>>, %arg2: memref<5x128x128xf32, #tpu.memory_space<vmem>>, %arg3: memref<128x1xf32, #tpu.memory_space<vmem>>, %arg4: memref<128x3200xf32, #tpu.memory_space<vmem>>, %arg5: memref<3200x128xf32, #tpu.memory_space<vmem>>, %arg6: memref<3200x128xf32, #tpu.memory_space<vmem>>, %arg7: memref<3200x128xf32, #tpu.memory_space<vmem>>, %arg8: memref<3200x128xf32, #tpu.memory_space<vmem>>) attributes {dimension_semantics = [#tpu.dimension_semantics<arbitrary>], iteration_bounds = array<i64: 50>, scalar_prefetch = 0 : i64, scratch_operands = 0 : i64, tpu.core_type = #tpu.core_type<tc>, window_params = [{transform_indices = @transform_0, window_bounds = array<i64: 128, 3200>}, {pipeline_mode = #tpu.pipeline_mode<synchronous>, transform_indices = @transform_1, window_bounds = array<i64: 5, 128, 128>}, {pipeline_mode = #tpu.pipeline_mode<synchronous>, transform_indices = @transform_2, window_bounds = array<i64: 128, 1>}, {transform_indices = @transform_3, window_bounds = array<i64: 128, 3200>}, {transform_indices = @transform_4, window_bounds = array<i64: 3200, 128>}, {transform_indices = @transform_5, window_bounds = array<i64: 3200, 128>}, {transform_indices = @transform_6, window_bounds = array<i64: 3200, 128>}, {transform_indices = @transform_7, window_bounds = array<i64: 3200, 128>}]} {
    %get3A = arith.constant 0 : index
    %get3A_0 = arith.constant 0 : index
    %get3A_1 = vector.load %arg1[%get3A, %get3A_0] : memref<128x3200xf32, #tpu.memory_space<vmem>>, vector<128x3200xf32>
    %get3A_2 = arith.constant 0 : index
    %get3A_3 = arith.constant 0 : index
    %get3A_4 = arith.constant 0 : index
    %get3A_5 = vector.load %arg2[%get3A_2, %get3A_3, %get3A_4] : memref<5x128x128xf32, #tpu.memory_space<vmem>>, vector<1x128x128xf32>
    %get3A_6 = vector.shape_cast %get3A_5 : vector<1x128x128xf32> to vector<128x128xf32>
    %dot_general3A = arith.constant dense<0.000000e+00> : vector<128x3200xf32>
    %dot_general3A_7 = tpu.matmul %get3A_6, %get3A_1, %dot_general3A {dimension_numbers = #tpu.dot_dimension_numbers<[1], [0], [0], [1], [0, 0, 1, 1], [], []>, transpose_lhs_hint = false} : vector<128x128xf32>, vector<128x3200xf32>, vector<128x3200xf32> -> vector<128x3200xf32>
    %get3A_8 = arith.constant 0 : index
    %get3A_9 = arith.constant 0 : index
    %get3A_10 = vector.load %arg3[%get3A_8, %get3A_9] : memref<128x1xf32, #tpu.memory_space<vmem>>, vector<128x1xf32>
    %add3A = vector.broadcast %get3A_10 : vector<128x1xf32> to vector<128x3200xf32>
    %add3A_11 = arith.addf %dot_general3A_7, %add3A : vector<128x3200xf32>
    %swap3A = arith.constant 0 : index
    %swap3A_12 = arith.constant 0 : index
    %swap3A_13 = vector.load %arg4[%swap3A, %swap3A_12] : memref<128x3200xf32, #tpu.memory_space<vmem>>, vector<128x3200xf32>
    tpu.vector_store %arg4[%swap3A, %swap3A_12], %add3A_11 {strides = array<i32>} : memref<128x3200xf32, #tpu.memory_space<vmem>>, vector<128x3200xf32>,
    %get3A_14 = arith.constant 1 : index
    %get3A_15 = arith.constant 0 : index
    %get3A_16 = arith.constant 0 : index
    %get3A_17 = vector.load %arg2[%get3A_14, %get3A_15, %get3A_16] : memref<5x128x128xf32, #tpu.memory_space<vmem>>, vector<1x128x128xf32>
    %get3A_18 = vector.shape_cast %get3A_17 : vector<1x128x128xf32> to vector<128x128xf32>
    %dot_general3A_19 = arith.constant dense<0.000000e+00> : vector<3200x128xf32>
    %dot_general3A_20 = tpu.matmul %get3A_1, %get3A_18, %dot_general3A_19 {dimension_numbers = #tpu.dot_dimension_numbers<[0], [1], [1], [0], [0, 1, 1, 0], [], []>, transpose_lhs_hint = false} : vector<128x3200xf32>, vector<128x128xf32>, vector<3200x128xf32> -> vector<3200x128xf32>
    %swap3A_21 = arith.constant 0 : index
    %swap3A_22 = arith.constant 0 : index
    %swap3A_23 = vector.load %arg5[%swap3A_21, %swap3A_22] : memref<3200x128xf32, #tpu.memory_space<vmem>>, vector<3200x128xf32>
    tpu.vector_store %arg5[%swap3A_21, %swap3A_22], %dot_general3A_20 {strides = array<i32>} : memref<3200x128xf32, #tpu.memory_space<vmem>>, vector<3200x128xf32>,
    %get3A_24 = arith.constant 2 : index
    %get3A_25 = arith.constant 0 : index
    %get3A_26 = arith.constant 0 : index
    %get3A_27 = vector.load %arg2[%get3A_24, %get3A_25, %get3A_26] : memref<5x128x128xf32, #tpu.memory_space<vmem>>, vector<1x128x128xf32>
    %get3A_28 = vector.shape_cast %get3A_27 : vector<1x128x128xf32> to vector<128x128xf32>
    %dot_general3A_29 = arith.constant dense<0.000000e+00> : vector<3200x128xf32>
    %dot_general3A_30 = tpu.matmul %get3A_1, %get3A_28, %dot_general3A_29 {dimension_numbers = #tpu.dot_dimension_numbers<[0], [1], [1], [0], [0, 1, 1, 0], [], []>, transpose_lhs_hint = false} : vector<128x3200xf32>, vector<128x128xf32>, vector<3200x128xf32> -> vector<3200x128xf32>
    %swap3A_31 = arith.constant 0 : index
    %swap3A_32 = arith.constant 0 : index
    %swap3A_33 = vector.load %arg6[%swap3A_31, %swap3A_32] : memref<3200x128xf32, #tpu.memory_space<vmem>>, vector<3200x128xf32>
    tpu.vector_store %arg6[%swap3A_31, %swap3A_32], %dot_general3A_30 {strides = array<i32>} : memref<3200x128xf32, #tpu.memory_space<vmem>>, vector<3200x128xf32>,
    %get3A_34 = arith.constant 3 : index
    %get3A_35 = arith.constant 0 : index
    %get3A_36 = arith.constant 0 : index
    %get3A_37 = vector.load %arg2[%get3A_34, %get3A_35, %get3A_36] : memref<5x128x128xf32, #tpu.memory_space<vmem>>, vector<1x128x128xf32>
    %get3A_38 = vector.shape_cast %get3A_37 : vector<1x128x128xf32> to vector<128x128xf32>
    %dot_general3A_39 = arith.constant dense<0.000000e+00> : vector<3200x128xf32>
    %dot_general3A_40 = tpu.matmul %get3A_1, %get3A_38, %dot_general3A_39 {dimension_numbers = #tpu.dot_dimension_numbers<[0], [1], [1], [0], [0, 1, 1, 0], [], []>, transpose_lhs_hint = false} : vector<128x3200xf32>, vector<128x128xf32>, vector<3200x128xf32> -> vector<3200x128xf32>
    %swap3A_41 = arith.constant 0 : index
    %swap3A_42 = arith.constant 0 : index
    %swap3A_43 = vector.load %arg7[%swap3A_41, %swap3A_42] : memref<3200x128xf32, #tpu.memory_space<vmem>>, vector<3200x128xf32>
    tpu.vector_store %arg7[%swap3A_41, %swap3A_42], %dot_general3A_40 {strides = array<i32>} : memref<3200x128xf32, #tpu.memory_space<vmem>>, vector<3200x128xf32>,
    %get3A_44 = arith.constant 4 : index
    %get3A_45 = arith.constant 0 : index
    %get3A_46 = arith.constant 0 : index
    %get3A_47 = vector.load %arg2[%get3A_44, %get3A_45, %get3A_46] : memref<5x128x128xf32, #tpu.memory_space<vmem>>, vector<1x128x128xf32>
    %get3A_48 = vector.shape_cast %get3A_47 : vector<1x128x128xf32> to vector<128x128xf32>
    %dot_general3A_49 = arith.constant dense<0.000000e+00> : vector<3200x128xf32>
    %dot_general3A_50 = tpu.matmul %get3A_1, %get3A_48, %dot_general3A_49 {dimension_numbers = #tpu.dot_dimension_numbers<[0], [1], [1], [0], [0, 1, 1, 0], [], []>, transpose_lhs_hint = false} : vector<128x3200xf32>, vector<128x128xf32>, vector<3200x128xf32> -> vector<3200x128xf32>
    %swap3A_51 = arith.constant 0 : index
    %swap3A_52 = arith.constant 0 : index
    %swap3A_53 = vector.load %arg8[%swap3A_51, %swap3A_52] : memref<3200x128xf32, #tpu.memory_space<vmem>>, vector<3200x128xf32>
    tpu.vector_store %arg8[%swap3A_51, %swap3A_52], %dot_general3A_50 {strides = array<i32>} : memref<3200x128xf32, #tpu.memory_space<vmem>>, vector<3200x128xf32>,
    return
  }
  func.func @transform_0(%arg0: i32) -> (i32, i32) {
    %c0_i32 = arith.constant 0 : i32
    %c0_i32_0 = arith.constant 0 : i32
    return %c0_i32, %arg0 : i32, i32
  }
  func.func @transform_1(%arg0: i32) -> (i32, i32, i32) {
    %c0_i32 = arith.constant 0 : i32
    %c0_i32_0 = arith.constant 0 : i32
    %c0_i32_1 = arith.constant 0 : i32
    %c0_i32_2 = arith.constant 0 : i32
    return %c0_i32, %c0_i32_0, %c0_i32_1 : i32, i32, i32
  }
  func.func @transform_2(%arg0: i32) -> (i32, i32) {
    %c0_i32 = arith.constant 0 : i32
    %c0_i32_0 = arith.constant 0 : i32
    %c0_i32_1 = arith.constant 0 : i32
    return %c0_i32, %c0_i32_0 : i32, i32
  }
  func.func @transform_3(%arg0: i32) -> (i32, i32) {
    %c0_i32 = arith.constant 0 : i32
    %c0_i32_0 = arith.constant 0 : i32
    return %c0_i32, %arg0 : i32, i32
  }
  func.func @transform_4(%arg0: i32) -> (i32, i32) {
    %c0_i32 = arith.constant 0 : i32
    %c0_i32_0 = arith.constant 0 : i32
    return %arg0, %c0_i32 : i32, i32
  }
  func.func @transform_5(%arg0: i32) -> (i32, i32) {
    %c0_i32 = arith.constant 0 : i32
    %c0_i32_0 = arith.constant 0 : i32
    return %arg0, %c0_i32 : i32, i32
  }
  func.func @transform_6(%arg0: i32) -> (i32, i32) {
    %c0_i32 = arith.constant 0 : i32
    %c0_i32_0 = arith.constant 0 : i32
    return %arg0, %c0_i32 : i32, i32
  }
  func.func @transform_7(%arg0: i32) -> (i32, i32) {
    %c0_i32 = arith.constant 0 : i32
    %c0_i32_0 = arith.constant 0 : i32
    return %arg0, %c0_i32 : i32, i32
  }
}

module attributes {stable_mosaic.version = 14 : i64} {
  func.func @_p3_body(%arg0: i32, %arg1: memref<128x3200xf32, #tpu.memory_space<vmem>>, %arg2: memref<3200x128xf32, #tpu.memory_space<vmem>>, %arg3: memref<128x3200xf32, #tpu.memory_space<vmem>>) attributes {dimension_semantics = [#tpu.dimension_semantics<arbitrary>], iteration_bounds = array<i64: 50>, scalar_prefetch = 0 : i64, scratch_operands = 0 : i64, tpu.core_type = #tpu.core_type<tc>, window_params = [{transform_indices = @transform_0, window_bounds = array<i64: 128, 3200>}, {transform_indices = @transform_1, window_bounds = array<i64: 3200, 128>}, {transform_indices = @transform_2, window_bounds = array<i64: 128, 3200>}]} {
    %get3A = arith.constant 0 : index
    %get3A_0 = arith.constant 0 : index
    %get3A_1 = vector.load %arg1[%get3A, %get3A_0] : memref<128x3200xf32, #tpu.memory_space<vmem>>, vector<128x3200xf32>
    %get3A_2 = arith.constant 0 : index
    %get3A_3 = arith.constant 0 : index
    %get3A_4 = vector.load %arg2[%get3A_2, %get3A_3] : memref<3200x128xf32, #tpu.memory_space<vmem>>, vector<3200x128xf32>
    %transpose3A = tpu.transpose %get3A_4, [1, 0] : vector<3200x128xf32> -> vector<128x3200xf32>
    %add3A = arith.addf %get3A_1, %transpose3A : vector<128x3200xf32>
    %swap3A = arith.constant 0 : index
    %swap3A_5 = arith.constant 0 : index
    %swap3A_6 = vector.load %arg3[%swap3A, %swap3A_5] : memref<128x3200xf32, #tpu.memory_space<vmem>>, vector<128x3200xf32>
    tpu.vector_store %arg3[%swap3A, %swap3A_5], %add3A {strides = array<i32>} : memref<128x3200xf32, #tpu.memory_space<vmem>>, vector<128x3200xf32>,
    return
  }
  func.func @transform_0(%arg0: i32) -> (i32, i32) {
    %c0_i32 = arith.constant 0 : i32
    %c0_i32_0 = arith.constant 0 : i32
    return %c0_i32, %arg0 : i32, i32
  }
  func.func @transform_1(%arg0: i32) -> (i32, i32) {
    %c0_i32 = arith.constant 0 : i32
    %c0_i32_0 = arith.constant 0 : i32
    return %arg0, %c0_i32 : i32, i32
  }
  func.func @transform_2(%arg0: i32) -> (i32, i32) {
    %c0_i32 = arith.constant 0 : i32
    %c0_i32_0 = arith.constant 0 : i32
    return %c0_i32, %arg0 : i32, i32
  }
}

module attributes {stable_mosaic.version = 14 : i64} {
  func.func @_p4_body(%arg0: i32, %arg1: memref<8x160000xf32, #tpu.memory_space<vmem>>, %arg2: memref<10000x128xf32, #tpu.memory_space<vmem>>) attributes {dimension_semantics = [#tpu.dimension_semantics<arbitrary>], iteration_bounds = array<i64: 16>, scalar_prefetch = 0 : i64, scratch_operands = 0 : i64, tpu.core_type = #tpu.core_type<tc>, window_params = [{transform_indices = @transform_0, window_bounds = array<i64: 8, 160000>}, {transform_indices = @transform_1, window_bounds = array<i64: 10000, 128>}]} {
    %get3A = arith.constant 0 : index
    %get3A_0 = arith.constant 0 : index
    %get3A_1 = vector.load %arg1[%get3A, %get3A_0] : memref<8x160000xf32, #tpu.memory_space<vmem>>, vector<8x160000xf32>
    %reshape3A = vector.shape_cast %get3A_1 : vector<8x160000xf32> to vector<10000x128xf32>
    %swap3A = arith.constant 0 : index
    %swap3A_2 = arith.constant 0 : index
    %swap3A_3 = vector.load %arg2[%swap3A, %swap3A_2] : memref<10000x128xf32, #tpu.memory_space<vmem>>, vector<10000x128xf32>
    tpu.vector_store %arg2[%swap3A, %swap3A_2], %reshape3A {strides = array<i32>} : memref<10000x128xf32, #tpu.memory_space<vmem>>, vector<10000x128xf32>,
    return
  }
  func.func @transform_0(%arg0: i32) -> (i32, i32) {
    %c0_i32 = arith.constant 0 : i32
    %c0_i32_0 = arith.constant 0 : i32
    return %arg0, %c0_i32 : i32, i32
  }
  func.func @transform_1(%arg0: i32) -> (i32, i32) {
    %c0_i32 = arith.constant 0 : i32
    %c0_i32_0 = arith.constant 0 : i32
    return %arg0, %c0_i32 : i32, i32
  }
}

</mosaic_0001>

<sc_bundles>
// kernel: kernel.6.cloned.1.call-start
scs
__scs_entry_jumppad:
0x0: {  	(pc) =	sbr.rel $0x88, $3  }
0x1: {  	(tag) =	ssettag $0x0;
	lr =	simm.s32 $0x1  }
0x2: {  	[smem:$0x3F9D] =	sst lr;
	_ =	strace $0xD0000000  }
0x3: {  	_ = 	snop  }
0x4: {  	_ = 	snop  }
0x5: {  	_ = 	snop  }
0x6: {  	_ = 	snop  }
0x7: {  	_ = 	snop  }
__scs_overlays_trampoline_lowered:
0x8: {  	[smem:$0x3FAC] =	sst s0  }
0x9: {  	[smem:$0x3FAD] =	sst s1  }
0xa: {  	[smem:$0x3FAE] =	sst s2  }
0xb: {  	[smem:$0x3FAF] =	sst s3  }
0xc: {  	[smem:$0x3FB0] =	sst s4  }
0xd: {  	[smem:$0x3FB1] =	sst s5  }
0xe: {  	[smem:$0x3FB2] =	sst s6  }
0xf: {  	[smem:$0x3FB3] =	sst s7  }
0x10: {  	[smem:$0x3FB4] =	sst s8  }
0x11: {  	[smem:$0x3FB5] =	sst s9;
	s0 =	simm.s32 @!p0 $0x0  }
0x12: {  	s1 =	sld [smem:$0x3F9B];
	s0 =	simm.s32 @p0 $0x1  }
0x13: {  	[smem:$0x3FB6] =	sst s0;
	s0 =	simm.s32 @!p1 $0x0  }
0x14: {  	s2 =	sld [smem:$0x3F9A];
	s0 =	simm.s32 @p1 $0x1  }
0x15: {  	[smem:$0x3FB7] =	sst s0;
	s0 =	simm.s32 @!p2 $0x0  }
0x16: {  	s3 =	sld [smem:$0x3FDB];
	s0 =	simm.s32 @p2 $0x1  }
0x17: {  	s4 =	simm.s32 $0x1BF5;
	[smem:$0x3FB9] =	sst s0  }
0x18: {  	s0 =	sld [smem:$0x3F9C];
	_ =	swait.ge [sflag:s4], $0x0  }
0x19: {  	s7 =	sld [smem:$0x3F9D]  }
0x1a: {  	s8 =	sadd.s32 $0xFFFFE003, lr  }
0x1b: {  	s9 =	sadd.s32 $0xFFFFFEF7, lr;
	s5 =	simm.s32 $0xFFFFFFFF;
	p2 =	slt.u32 s8, $0xFFFFF086  }
0x1c: {  	p1 =	slt.u32 s9, $0xF7A;
	s5 =	simm.s32 @!p2 $0x0  }
0x1d: {  	s5 =	simm.s32 @p1 $0x1;
	p0 =	seq.s32 s7, s2  }
0x1e: {  	s7 =	smul.u32 @!p0 $0xF7A, s2;
	p2 =	seq.s32 @!p0 s5, $0x0  }
0x1f: {  	s9 =	smul.u32 $0xF7A, s1;
	s8 =	simm.s32 @!p0 $0x1BF5;
	p2 =	por !p2, p0  }
0x20: {  	[sflag:s8] =	ssyncset.s32 @!p0 $0xFFFFF086;
	s6 =	sadd.s32 @!p0 s3, s7;
	s7 =	simm.s32 @!p0 $0x108  }
0x21: {  	s3 =	sadd.s32 s3, s9;
	s6 =	sadd.s32 @!p0 $0x88, s6;
	s7 =	simm.s32 @p2 $0x1082  }
0x22: {  	[simem:s7], [sflag:s8] =	dma.local @!p0 [hbm:s6], $0xF7A  }
0x23: {  	s9 =	sor.u32 $0xD0000000, s2;
	s6 =	simm.s32 $0x108;
	_ =	swait.ge @!p0 [sflag:s8], $0x0  }
0x24: {  	s3 =	sadd.s32 $0x88, s3;
	s6 =	simm.s32 @!p1 $0x1082;
	[sflag:s4] =	ssyncset.s32 $0xFFFFF086  }
0x25: {  	[simem:s6], [sflag:s4] =	dma.local [hbm:s3], $0xF7A  }
0x26: {  	[smem:$0x3F9D] =	sst s1;
	(tag) =	ssettag s2;
	_ =	strace s9  }
0x27: {  	s1 =	sld [smem:$0x3FAD]  }
0x28: {  	s2 =	sld [smem:$0x3FAE]  }
0x29: {  	s4 =	sld [smem:$0x3FB0]  }
0x2a: {  	p0 =	seq.s32 s5, $0x0;
	s5 =	sld [smem:$0x3FB1]  }
0x2b: {  	s6 =	sld [smem:$0x3FB2]  }
0x2c: {  	s7 =	sld [smem:$0x3FB3]  }
0x2d: {  	s3 =	simm.s32 $0x108;
	s8 =	sld [smem:$0x3FB4]  }
0x2e: {  	s3 =	simm.s32 @!p0 $0x1082;
	s9 =	sld [smem:$0x3FB5]  }
0x2f: {  	lr =	sadd.s32 s0, s3;
	s0 =	sld [smem:$0x3FAC]  }
0x30: {  	s3 =	sld [smem:$0x3FAF]  }
0x31: {  	[smem:$0x3FB8] =	sst s10  }
0x32: {  	s10 =	sld [smem:$0x3FB6];
	_ =	sdelay $0x3  }
0x33: {  	p0 =	seq.s32 s10, $0x1;
	s10 =	sld [smem:$0x3FB8];
	_ =	sdelay $0x3  }
0x34: {  	[smem:$0x3FB8] =	sst s10  }
0x35: {  	s10 =	sld [smem:$0x3FB7];
	_ =	sdelay $0x3  }
0x36: {  	p1 =	seq.s32 s10, $0x1;
	s10 =	sld [smem:$0x3FB8];
	_ =	sdelay $0x3  }
0x37: {  	[smem:$0x3FB8] =	sst s10  }
0x38: {  	s10 =	sld [smem:$0x3FB9]  }
0x39: {  	_ = 	snop;
	(pc) =	sbr.ind lr, $3  }
0x3a: {  	_ = 	snop  }
0x3b: {  	_ = 	snop  }
0x3c: {  	p2 =	seq.s32 s10, $0x1;
	s10 =	sld [smem:$0x3FB8]  }
0x3d: {  	_ =	shalt  }
0x3e: {  	_ =	shalt  }
0x3f: {  	_ =	shalt  }
0x40: {  	_ =	shalt  }
0x41: {  	_ =	shalt  }
0x42: {  	_ =	shalt  }
0x43: {  	_ =	shalt  }
0x44: {  	_ =	shalt  }
0x45: {  	_ =	shalt  }
0x46: {  	_ =	shalt  }
0x47: {  	_ =	shalt  }
0x48: {  	_ =	shalt  }
0x49: {  	_ =	shalt  }
0x4a: {  	_ =	shalt  }
0x4b: {  	_ =	shalt  }
0x4c: {  	_ =	shalt  }
0x4d: {  	_ =	shalt  }
0x4e: {  	_ =	shalt  }
0x4f: {  	_ =	shalt  }
0x50: {  	_ =	shalt  }
0x51: {  	_ =	shalt  }
0x52: {  	_ =	shalt  }
0x53: {  	_ =	shalt  }
0x54: {  	_ =	shalt  }
0x55: {  	_ =	shalt  }
0x56: {  	_ =	shalt  }
0x57: {  	_ =	shalt  }
0x58: {  	_ =	shalt  }
0x59: {  	_ =	shalt  }
0x5a: {  	_ =	shalt  }
0x5b: {  	_ =	shalt  }
0x5c: {  	_ =	shalt  }
0x5d: {  	_ =	shalt  }
0x5e: {  	_ =	shalt  }
0x5f: {  	_ =	shalt  }
0x60: {  	_ =	shalt  }
0x61: {  	_ =	shalt  }
0x62: {  	_ =	shalt  }
0x63: {  	_ =	shalt  }
0x64: {  	_ =	shalt  }
0x65: {  	_ =	shalt  }
0x66: {  	_ =	shalt  }
0x67: {  	_ =	shalt  }
0x68: {  	_ =	shalt  }
0x69: {  	_ =	shalt  }
0x6a: {  	_ =	shalt  }
0x6b: {  	_ =	shalt  }
0x6c: {  	_ =	shalt  }
0x6d: {  	_ =	shalt  }
0x6e: {  	_ =	shalt  }
0x6f: {  	_ =	shalt  }
0x70: {  	_ =	shalt  }
0x71: {  	_ =	shalt  }
0x72: {  	_ =	shalt  }
0x73: {  	_ =	shalt  }
0x74: {  	_ =	shalt  }
0x75: {  	_ =	shalt  }
0x76: {  	_ =	shalt  }
0x77: {  	_ =	shalt  }
0x78: {  	_ =	shalt  }
0x79: {  	_ =	shalt  }
0x7a: {  	_ =	shalt  }
0x7b: {  	_ =	shalt  }
0x7c: {  	_ =	shalt  }
0x7d: {  	_ =	shalt  }
0x7e: {  	_ =	shalt  }
0x7f: {  	_ =	shalt  }
0x80: {  	_ =	shalt  }
0x81: {  	_ =	shalt  }
0x82: {  	_ =	shalt  }
0x83: {  	_ =	shalt  }
0x84: {  	_ =	shalt  }
0x85: {  	_ =	shalt  }
0x86: {  	_ =	shalt  }
0x87: {  	_ =	shalt  }
.Lfunc_end0:
.L_simem_size_0:
called_computation_lowered:
.L_overlay_start_0:
0x88: {  	s2 =	sld [smem:$0x3FD9]  }
0x89: {  	s3 =	sld [smem:$0x3FFE];
	_ =	sdelay $0x1  }
0x8a: {  	s1 =	srdreg.scid  }
0x8b: {  	s0 =	sand.u32 $0x1, s1  }
0x8c: {  	s16 =	sshll.u32 s0, $0xA;
	s2 =	sadd.s32 s3, s2  }
0x8d: {  	s2 =	sadd.s32 s2, s16  }
0x8e: {  	[smem:$0x3FC4] =	sst s2  }
0x8f: {  	_ = 	snop  }
0x90: {  	(tm) =	ssettm $0x1  }
0x91: {  	s17 =	sld [smem:$0x3FFB];
	_ =	sdelay $0x3  }
0x92: {  	_ =	strace s17  }
0x93: {  	s2 =	sld [smem:$0x3FFC];
	_ =	sdelay $0x3  }
0x94: {  	_ =	strace s2  }
0x95: {  	s2 =	sld [smem:$0x3FFD];
	_ =	sdelay $0x3  }
0x96: {  	_ =	strace s2  }
0x97: {  	_ =	strace $0x8FFFFFFF  }
0x98: {  	s18 =	sld [smem:$0x3FDB];
	_ =	sdelay $0x1  }
0x99: {  	s19 =	simm.s32 $_scs_section_size  }
0x9a: {  	s4 =	simm.s32 $_size__tile_overlayer_lowered;
	s5 =	simm.s32 $_tile_overlayer_lowered  }
0x9b: {  	s22 =	simm.s32 $0x1BFF;
	s21 =	sshll.u32 s5, $0x1;
	s2 =	sadd.s32 s19, s18  }
0x9c: {  	s6 =	simm.s32 $0x0;
	s20 =	sshll.u32 s4, $0x1;
	s4 =	sadd.s32 s21, s2  }
0x9d: {  	[timem:s6], [sflag:s22] =	dma.local [hbm:s4], s20  }
0x9e: {  	_ =	swait.ge [sflag:s22], s20  }
0x9f: {  	s3 =	ssub.s32 $0x0, s20;
	[sflag:s22] =	ssyncset.done $0x0  }
0xa0: {  	[sflag:s22] =	ssyncadd.s32 s3;
	_ =	sdelay $0x1  }
0xa1: {  	s23 =	simm.s32 $0x1B8B  }
0xa2: {  	_ =	swait.ge [sflag:s23], $0x1  }
0xa3: {  	[sflag:s23] =	ssyncset.done $0x0  }
0xa4: {  	s25 =	simm.s32 $0x1B8E;
	s24 =	sld [smem:$0x3FFE];
	[sflag:s23] =	ssyncadd.s32 $0xFFFFFFFF  }
0xa5: {  	s26 =	simm.s32 $execute0_lowered;
	[smem:$0x3FD2] =	sst s25  }
0xa6: {  	s4 =	sshll.u32 s26, $0x1;
	_ =	strace $0x80000046;
	[dreg:$0x1] =	wrdreg $0xFFFFFFFF  }
0xa7: {  	s28 =	simm.s32 $_size_execute0_lowered;
	s2 =	sadd.s32 s2, s4;
	[dreg:$0x0] =	wrdreg $0x0  }
0xa8: {  	s4 =	sshll.u32 s28, $0x1;
	[dreg:$0x2] =	wrdreg s2  }
0xa9: {  	[dreg:$0x3] =	wrdreg s4  }
0xaa: {  	[dreg:$0x4] =	wrdreg $0xC0  }
0xab: {  	_ =	task [dreg:s6], $0x5FFFF  }
0xac: {  	[dreg:$0x1] =	wrdreg $0xFFFFFFFF  }
0xad: {  	[dreg:$0x0] =	wrdreg $0x60  }
0xae: {  	[dreg:$0x2] =	wrdreg s24  }
0xaf: {  	[dreg:$0x3] =	wrdreg $0x9  }
0xb0: {  	_ =	task.clear_ibuf [dreg:s6], $0x4FFFF;
	_ =	strace $0x90000046  }
0xb1: {  	s29 =	simm.s32 $0x9;
	_ =	strace $0x80000048  }
0xb2: {  	_ =	swait.ge [sflag:s29], $0x1  }
0xb3: {  	[sflag:s29] =	ssyncadd.s32 $0xFFFFFFFF  }
0xb4: {  	_ =	strace $0x90000048  }
0xb5: {  	_ =	sfence  }
0xb6: {  	s30 =	sld [smem:$0x0];
	_ =	sdelay $0x2  }
0xb7: {  	s31 =	sshll.u32 s1, $0xD;
	s1 =	sshrl.u32 s1, $0x2  }
0xb8: {  	s3 =	sand.u32 $0x4000, s31;
	s1 =	sadd.s32 s1, s30  }
0xb9: {  	s0 =	sor.u32 s3, s0;
	s1 =	sshll.u32 s1, $0x11  }
0xba: {  	s0 =	sor.u32 s1, s0  }
0xbb: {  	s0 =	sadd.s32 $0x8F2B, s0  }
0xbc: {  	[sflag:s0] =	ssyncadd.remote.s32 $0x1  }
0xbd: {  	_ =	sfence.sel $0xFFFF  }
0xbe: {  	[dreg:$0x0] =	wrdreg $0xFFFFFFFF;
	(pc) =	sbr.abs _section_cstart, $3  }
0xbf: {  	[dreg:$0x1] =	wrdreg $0xFFFFFFFF  }
0xc0: {  	_ =	task.clear_ibuf [dreg:s6], $0x2FFFF;
	_ =	strace $0x9FFFFFFF  }
0xc1: {  	(tm) =	ssettm $0x7FFFFFFF  }
tec
execute0_lowered:
.L_overlay_start_1:
0x0: {  	(tag) =	ssettag $0x1  }
0x1: {  	s0 =	rddreg [dreg:$0x0]  }
0x2: {  	s1 =	simm.s32 $0x0;
	s2 =	srdreg.scid;
	s17 =	stileid.u32  }
0x3: {  	s13 =	simm.s32 $0x38;
	s19 =	simm.s32 $0x6;
	s28 =	simm.s32 $0x13000  }
0x4: {  	s29 =	simm.s32 $0x3;
	s30 =	simm.s32 $0x4;
	s31 =	simm.s32 $0x0  }
0x5: {  	[smem:$0x7FF] =	sst s1;
	s3 =	sadd.s32 $0x14600, s0;
	s4 =	sadd.s32 $0x285600, s0  }
0x6: {  	s2 =	sand.u32 $0x1, s2;
	s5 =	sadd.s32 $0x4F6600, s0;
	s6 =	sadd.s32 $0x767600, s0  }
0x7: {  	s7 =	smul.u32 $0x50, s17;
	s9 =	sadd.s32 $0x600, s0;
	s8 =	sadd.s32 $0x9D8600, s0  }
0x8: {  	s21 =	smul.u32 $0x28000, s17;
	p0 =	seq.s32 s2, $0x0;
	s2 =	ssub.s32 $0x2, s2  }
0x9: {  	_ =	strace $0x80000047;
	s13 =	simm.s32 @!p0 $0x0;
	s10 =	sshrl.u32 s2, $0x1  }
0xa: {  	s19 =	simm.s32 @!p0 $0xE;
	s15 =	sadd.s32 s7, s13;
	s26 =	ssub.s32 s2, s10  }
0xb: {  	s13 =	sshll.u32 s13, $0xB;
	s7 =	sshll.u32 s15, $0x7;
	s0 =	smax.u32 s26, $0x1  }
0xc: {  	s16 =	sshll.u32 s15, $0x4;
	s26 =	sshll.u32 s19, $0xB;
	[dreg:$0x9] =	wrdreg s0  }
0xd: {  	s25 =	sshll.u32 s15, $0xB;
	s14 =	sshrl.u32 s7, $0x3;
	[dreg:$0x3] =	wrdreg s26  }
0xe: {  	s26 =	simm.s32 $0x2;
	s2 =	sadd.s32 s9, s14;
	s9 =	sadd.s32 s9, s16  }
0xf: {  	s14 =	sadd.s32 $0xFFFFFF80, s7;
	s16 =	sshll.u32 s19, $0x9;
	s10 =	sadd.s32 $0x5000, s2  }
0x10: {  	s11 =	sadd.s32 $0xA000, s2;
	s12 =	sadd.s32 $0xF000, s2;
	[dreg:$0x2] =	wrdreg s14  }
0x11: {  	s18 =	sadd.s32 s7, s16;
	s20 =	sadd.s32 $0x1B80, s16;
	s22 =	sadd.s32 $0x3780, s16  }
0x12: {  	s16 =	sadd.s32 $0x5380, s16;
	s14 =	sadd.s32 s21, s8;
	[dreg:$0x4] =	wrdreg s20  }
0x13: {  	s2 =	sshll.u32 s18, $0x4;
	[dreg:$0x5] =	wrdreg s22;
	s24 =	sadd.s32 s13, s14  }
0x14: {  	[dreg:$0x6] =	wrdreg s16;
	s2 =	sadd.s32 s8, s2;
	s0 =	sadd.s32 $0xFFFFF000, s24  }
0x15: {  	s21 =	simm.s32 $0x80;
	s23 =	sadd.s32 $0xFFFFF000, s2;
	[dreg:$0xa] =	wrdreg s0  }
0x16: {  	s22 =	simm.s32 $0xB000;
	s2 =	sadd.s32 $0xFFFFF800, s2;
	[dreg:$0x7] =	wrdreg s23  }
0x17: {  	s24 =	simm.s32 $0x7000;
	s0 =	sadd.s32 s25, s8;
	[dreg:$0x8] =	wrdreg s2  }
0x18: {  	s25 =	simm.s32 $0xF000;
	[dreg:$0xb] =	wrdreg s0;
	s23 =	simm.s32 $0x1  }
.LBB2_1:
0x19: {  	s2 =	simm.s32 @p0 $0x0;
	s13 =	simm.s32 @p0 $0x5  }
0x1a: {  	[tilespmem:s2], [sflag:$0x5] =	stream.linear.gather @p0 [hbm4b:s9+s2], $0xC00, $0x38;
	[tilespmem:$0x17000] =	vst v63  }
0x1b: {  	_ =	swait.ge @p0 [sflag:s13], $0xC00  }
0x1c: {  	[sflag:s13] =	ssyncset.done @p0 $0x0  }
0x1d: {  	s15 =	simm.s32 @p0 $0x1C00;
	[sflag:s13] =	ssyncadd.s32 @p0 $0xFFFFF400  }
0x1e: {  	[tilespmem:s15], [sflag:$0x5] =	stream.linear.gather @p0 [hbm4b:s10+s2], $0xC00, $0x38;
	[tilespmem:$0x17000] =	vst v63  }
0x1f: {  	_ =	swait.ge @p0 [sflag:s13], $0xC00  }
0x20: {  	[sflag:s13] =	ssyncset.done @p0 $0x0  }
0x21: {  	s15 =	simm.s32 @p0 $0x3800;
	[sflag:s13] =	ssyncadd.s32 @p0 $0xFFFFF400  }
0x22: {  	[tilespmem:s15], [sflag:$0x5] =	stream.linear.gather @p0 [hbm4b:s11+s2], $0xC00, $0x38;
	[tilespmem:$0x17000] =	vst v63  }
0x23: {  	_ =	swait.ge @p0 [sflag:s13], $0xC00  }
0x24: {  	[sflag:s13] =	ssyncset.done @p0 $0x0  }
0x25: {  	s15 =	simm.s32 @p0 $0x5400;
	[sflag:s13] =	ssyncadd.s32 @p0 $0xFFFFF400  }
0x26: {  	[tilespmem:s15], [sflag:$0x5] =	stream.linear.gather @p0 [hbm4b:s12+s2], $0xC00, $0x38;
	[tilespmem:$0x17000] =	vst v63  }
0x27: {  	_ =	swait.ge @p0 [sflag:s13], $0xC00  }
0x28: {  	[sflag:s13] =	ssyncset.done @p0 $0x0  }
0x29: {  	s2 =	simm.s32 @!p0 $0x0;
	[sflag:s13] =	ssyncadd.s32 @p0 $0xFFFFF400;
	s13 =	simm.s32 @!p0 $0x5  }
0x2a: {  	[tilespmem:s2], [sflag:$0x5] =	stream.linear.gather @!p0 [hbm4b:s9+s2], $0x1C00, $0x38;
	[tilespmem:$0x17000] =	vst v63  }
0x2b: {  	_ =	swait.ge @!p0 [sflag:s13], $0x1C00  }
0x2c: {  	[sflag:s13] =	ssyncset.done @!p0 $0x0  }
0x2d: {  	s15 =	simm.s32 @!p0 $0x1C00;
	[sflag:s13] =	ssyncadd.s32 @!p0 $0xFFFFE400  }
0x2e: {  	[tilespmem:s15], [sflag:$0x5] =	stream.linear.gather @!p0 [hbm4b:s10+s2], $0x1C00, $0x38;
	[tilespmem:$0x17000] =	vst v63  }
0x2f: {  	_ =	swait.ge @!p0 [sflag:s13], $0x1C00  }
0x30: {  	[sflag:s13] =	ssyncset.done @!p0 $0x0  }
0x31: {  	s15 =	simm.s32 @!p0 $0x3800;
	[sflag:s13] =	ssyncadd.s32 @!p0 $0xFFFFE400  }
0x32: {  	[tilespmem:s15], [sflag:$0x5] =	stream.linear.gather @!p0 [hbm4b:s11+s2], $0x1C00, $0x38;
	[tilespmem:$0x17000] =	vst v63  }
0x33: {  	_ =	swait.ge @!p0 [sflag:s13], $0x1C00  }
0x34: {  	[sflag:s13] =	ssyncset.done @!p0 $0x0  }
0x35: {  	s15 =	simm.s32 @!p0 $0x5400;
	[sflag:s13] =	ssyncadd.s32 @!p0 $0xFFFFE400  }
0x36: {  	[tilespmem:s15], [sflag:$0x5] =	stream.linear.gather @!p0 [hbm4b:s12+s2], $0x1C00, $0x38;
	[tilespmem:$0x17000] =	vst v63  }
0x37: {  	_ =	swait.ge @!p0 [sflag:s13], $0x1C00  }
0x38: {  	s2 =	simm.s32 $0x0;
	[sflag:s13] =	ssyncset.done @!p0 $0x0;
	s20 =	rddreg [dreg:$0xb]  }
0x39: {  	s19 =	rddreg [dreg:$0xa];
	[sflag:s13] =	ssyncadd.s32 @!p0 $0xFFFFE400;
	s13 =	simm.s32 $0x0  }
.LBB2_2:
0x3a: {  	p1 =	sne.s32 s2, $0x0  }
0x3b: {  	s15 =	simm.s32 @p1 $0x1  }
0x3c: {  	_ =	swait.ge @p1 [sflag:s15], $0x4000  }
0x3d: {  	s16 =	simm.s32 @p1 $0x80;
	[sflag:s15] =	ssyncset.done @p1 $0x0  }
0x3e: {  	s17 =	simm.s32 @p1 $0x7000;
	[sflag:s15] =	ssyncadd.s32 @p1 $0xFFFFC000;
	s15 =	sshra.s32 @p1 s2, $0x2  }
0x3f: {  	[tilespmem:s17], [sflag:$0x1] =	stream.indirect.gather @p1 [hbm4b:s3+s16], $0x80, s15, s16, $0xb8;
	[tilespmem:$0x17000] =	vst v63  }
0x40: {  	s17 =	simm.s32 @p1 $0x4  }
0x41: {  	_ =	swait.ge @p1 [sflag:s17], $0x4000  }
0x42: {  	[sflag:s17] =	ssyncset.done @p1 $0x0  }
0x43: {  	s18 =	simm.s32 @p1 $0x13000;
	[sflag:s17] =	ssyncadd.s32 @p1 $0xFFFFC000;
	s17 =	sadd.s32 @p1 $0x1B80, s15  }
0x44: {  	[tilespmem:s18], [sflag:$0x4] =	stream.indirect.gather.add.f32 @p1 [hbm:s4], $0x80, s17, s16, $0xb8;
	[tilespmem:$0x17000] =	vst v63  }
0x45: {  	s17 =	sadd.s32 @p1 $0x3780, s15  }
0x46: {  	[tilespmem:s18], [sflag:$0x4] =	stream.indirect.gather.add.f32 @p1 [hbm:s5], $0x80, s17, s16, $0xb8;
	[tilespmem:$0x17000] =	vst v63  }
0x47: {  	s15 =	sadd.s32 @p1 $0x5380, s15  }
0x48: {  	[tilespmem:s18], [sflag:$0x4] =	stream.indirect.gather.add.f32 @p1 [hbm:s6], $0x80, s15, s16, $0xb8;
	[tilespmem:$0x17000] =	vst v63  }
0x49: {  	s15 =	simm.s32 @p1 $0x3  }
0x4a: {  	_ =	swait.ge @p1 [sflag:s15], $0x4000  }
0x4b: {  	[sflag:s15] =	ssyncset.done @p1 $0x0  }
0x4c: {  	[sflag:s15] =	ssyncadd.s32 @p1 $0xFFFFC000  }
0x4d: {  	_ =	swait.ge @p1 [sflag:s15], $0x4000  }
0x4e: {  	[sflag:s15] =	ssyncset.done @p1 $0x0  }
0x4f: {  	[sflag:s15] =	ssyncadd.s32 @p1 $0xFFFFC000  }
0x50: {  	_ =	swait.ge @p1 [sflag:s15], $0x4000  }
0x51: {  	[sflag:s15] =	ssyncset.done @p1 $0x0  }
0x52: {  	s16 =	simm.s32 @p1 $0xF000;
	[sflag:s15] =	ssyncadd.s32 @p1 $0xFFFFC000;
	s15 =	simm.s32 @p1 $0x0  }
0x53: {  	[hbm4b:s19+s15] =	stream.linear.scatter @p1 [tilespmem:s16], [sflag:$0x3], $0x4000, $0x38;
	[tilespmem:$0x17000] =	vst v63  }
0x54: {  	s15 =	simm.s32 @p1 $0x2  }
0x55: {  	_ =	swait.ge @p1 [sflag:s15], $0x4000  }
0x56: {  	s17 =	simm.s32 @!p1 $0x7000;
	[sflag:s15] =	ssyncset.done @p1 $0x0  }
0x57: {  	s16 =	simm.s32 @!p1 $0x0;
	[sflag:s15] =	ssyncadd.s32 @p1 $0xFFFFC000;
	s15 =	simm.s32 @!p1 $0x80  }
0x58: {  	[tilespmem:s17], [sflag:$0x1] =	stream.indirect.gather @!p1 [hbm4b:s3+s15], $0x80, s16, s15, $0xb8;
	[tilespmem:$0x17000] =	vst v63  }
0x59: {  	s16 =	smov.u32 s13  }
0x5a: {  	s16 =	simm.s32 @!p1 $0x0  }
0x5b: {  	s15 =	sor.u32 $0x80, s16  }
0x5c: {  	[tilespmem:s22], [sflag:$0x2] =	stream.indirect.gather [hbm4b:s3+s21], $0x80, s15, s21, $0xb8;
	[tilespmem:$0x17000] =	vst v63  }
0x5d: {  	_ =	swait.ge [sflag:s23], $0x4000  }
0x5e: {  	[sflag:s23] =	ssyncset.done $0x0  }
0x5f: {  	s18 =	sadd.s32 $0x1C00, s16;
	[sflag:s23] =	ssyncadd.s32 $0xFFFFC000  }
0x60: {  	[tilespmem:s24], [sflag:$0x1] =	stream.indirect.gather.add.f32 [hbm:s4], $0x80, s18, s21, $0xb8;
	[tilespmem:$0x17000] =	vst v63  }
0x61: {  	p1 =	seq.s32 s2, $0x0;
	s0 =	sadd.s32 $0x3800, s16  }
0x62: {  	[tilespmem:s24], [sflag:$0x1] =	stream.indirect.gather.add.f32 [hbm:s5], $0x80, s0, s21, $0xb8;
	[tilespmem:$0x17000] =	vst v63  }
0x63: {  	s14 =	sadd.s32 $0x5400, s16;
	s17 =	simm.s32 @!p1 $0x4  }
0x64: {  	[tilespmem:s24], [sflag:$0x1] =	stream.indirect.gather.add.f32 [hbm:s6], $0x80, s14, s21, $0xb8;
	[tilespmem:$0x17000] =	vst v63  }
0x65: {  	_ =	swait.ge @!p1 [sflag:s17], $0x4000  }
0x66: {  	[sflag:s17] =	ssyncset.done @!p1 $0x0  }
0x67: {  	[sflag:s17] =	ssyncadd.s32 @!p1 $0xFFFFC000  }
0x68: {  	_ =	swait.ge @!p1 [sflag:s17], $0x4000  }
0x69: {  	[sflag:s17] =	ssyncset.done @!p1 $0x0  }
0x6a: {  	[sflag:s17] =	ssyncadd.s32 @!p1 $0xFFFFC000  }
0x6b: {  	_ =	swait.ge @!p1 [sflag:s17], $0x4000  }
0x6c: {  	s18 =	rddreg [dreg:$0x2]  }
0x6d: {  	s18 =	sadd.s32 @!p1 s16, s18  }
0x6e: {  	s0 =	simm.s32 @!p1 $0x13000;
	[sflag:s17] =	ssyncset.done @!p1 $0x0;
	s18 =	sshll.u32 @!p1 s18, $0x4  }
0x6f: {  	s14 =	simm.s32 @!p1 $0x0;
	[sflag:s17] =	ssyncadd.s32 @!p1 $0xFFFFC000;
	s18 =	sadd.s32 @!p1 s8, s18  }
0x70: {  	[hbm4b:s18+s14] =	stream.linear.scatter @!p1 [tilespmem:s0], [sflag:$0x4], $0x4000, $0x38;
	[tilespmem:$0x17000] =	vst v63  }
0x71: {  	s0 =	simm.s32 @!p1 $0x3  }
0x72: {  	_ =	swait.ge @!p1 [sflag:s0], $0x4000  }
0x73: {  	[sflag:s0] =	ssyncset.done @!p1 $0x0  }
0x74: {  	[sflag:s0] =	ssyncadd.s32 @!p1 $0xFFFFC000;
	s0 =	sor.u32 $0x100, s16  }
0x75: {  	[tilespmem:s25], [sflag:$0x3] =	stream.indirect.gather [hbm4b:s3+s21], $0x80, s0, s21, $0xb8;
	[tilespmem:$0x17000] =	vst v63  }
0x76: {  	_ =	swait.ge [sflag:s26], $0x4000  }
0x77: {  	[sflag:s26] =	ssyncset.done $0x0  }
0x78: {  	s18 =	sadd.s32 $0x1C00, s15;
	[sflag:s26] =	ssyncadd.s32 $0xFFFFC000  }
0x79: {  	[tilespmem:s22], [sflag:$0x2] =	stream.indirect.gather.add.f32 [hbm:s4], $0x80, s18, s21, $0xb8;
	[tilespmem:$0x17000] =	vst v63  }
0x7a: {  	s16 =	sadd.s32 $0x3800, s15  }
0x7b: {  	[tilespmem:s22], [sflag:$0x2] =	stream.indirect.gather.add.f32 [hbm:s5], $0x80, s16, s21, $0xb8;
	[tilespmem:$0x17000] =	vst v63  }
0x7c: {  	s18 =	sadd.s32 $0x5400, s15  }
0x7d: {  	[tilespmem:s22], [sflag:$0x2] =	stream.indirect.gather.add.f32 [hbm:s6], $0x80, s18, s21, $0xb8;
	[tilespmem:$0x17000] =	vst v63  }
0x7e: {  	_ =	swait.ge [sflag:s23], $0x4000  }
0x7f: {  	[sflag:s23] =	ssyncset.done $0x0  }
0x80: {  	[sflag:s23] =	ssyncadd.s32 $0xFFFFC000  }
0x81: {  	_ =	swait.ge [sflag:s23], $0x4000  }
0x82: {  	[sflag:s23] =	ssyncset.done $0x0  }
0x83: {  	[sflag:s23] =	ssyncadd.s32 $0xFFFFC000  }
0x84: {  	_ =	swait.ge [sflag:s23], $0x4000  }
0x85: {  	[sflag:s23] =	ssyncset.done $0x0  }
0x86: {  	[sflag:s23] =	ssyncadd.s32 $0xFFFFC000  }
0x87: {  	[hbm4b:s20+s1] =	stream.linear.scatter [tilespmem:s24], [sflag:$0x1], $0x4000, $0x38;
	[tilespmem:$0x17000] =	vst v63  }
0x88: {  	_ =	swait.ge @!p1 [sflag:s17], $0x4000  }
0x89: {  	s16 =	sshra.s32 s2, $0x2;
	[sflag:s17] =	ssyncset.done @!p1 $0x0  }
0x8a: {  	s14 =	sadd.s32 $0x180, s16;
	[sflag:s17] =	ssyncadd.s32 @!p1 $0xFFFFC000  }
0x8b: {  	[tilespmem:s28], [sflag:$0x4] =	stream.indirect.gather [hbm4b:s3+s21], $0x80, s14, s21, $0xb8;
	[tilespmem:$0x17000] =	vst v63  }
0x8c: {  	_ =	swait.ge [sflag:s29], $0x4000  }
0x8d: {  	[sflag:s29] =	ssyncset.done $0x0  }
0x8e: {  	s18 =	sadd.s32 $0x1C00, s0;
	[sflag:s29] =	ssyncadd.s32 $0xFFFFC000  }
0x8f: {  	[tilespmem:s25], [sflag:$0x3] =	stream.indirect.gather.add.f32 [hbm:s4], $0x80, s18, s21, $0xb8;
	[tilespmem:$0x17000] =	vst v63  }
0x90: {  	s16 =	sadd.s32 $0x3800, s0  }
0x91: {  	[tilespmem:s25], [sflag:$0x3] =	stream.indirect.gather.add.f32 [hbm:s5], $0x80, s16, s21, $0xb8;
	[tilespmem:$0x17000] =	vst v63  }
0x92: {  	s0 =	sadd.s32 $0x5400, s0  }
0x93: {  	[tilespmem:s25], [sflag:$0x3] =	stream.indirect.gather.add.f32 [hbm:s6], $0x80, s0, s21, $0xb8;
	[tilespmem:$0x17000] =	vst v63  }
0x94: {  	_ =	swait.ge [sflag:s26], $0x4000  }
0x95: {  	[sflag:s26] =	ssyncset.done $0x0  }
0x96: {  	[sflag:s26] =	ssyncadd.s32 $0xFFFFC000  }
0x97: {  	_ =	swait.ge [sflag:s26], $0x4000  }
0x98: {  	[sflag:s26] =	ssyncset.done $0x0  }
0x99: {  	[sflag:s26] =	ssyncadd.s32 $0xFFFFC000  }
0x9a: {  	_ =	swait.ge [sflag:s26], $0x4000  }
0x9b: {  	s2 =	sadd.s32 $0x800, s2;
	s18 =	rddreg [dreg:$0x3]  }
0x9c: {  	p1 =	sne.s32 s18, s2  }
.Ltmp0:
0x9d: {  	_ = 	snop;
	(pc) =	sbr.rel @p1 .LBB2_2-.Ltmp0, $4  }
0x9e: {  	s19 =	sadd.s32 $0x2000, s19;
	s17 =	sadd.s32 s7, s15  }
0x9f: {  	s13 =	sadd.s32 $0x200, s13;
	s0 =	sshll.u32 s17, $0x4;
	[sflag:s26] =	ssyncset.done $0x0  }
0xa0: {  	s20 =	sadd.s32 $0x2000, s20;
	s0 =	sadd.s32 s8, s0;
	[sflag:s26] =	ssyncadd.s32 $0xFFFFC000  }
0xa1: {  	[hbm4b:s0+s1] =	stream.linear.scatter [tilespmem:s22], [sflag:$0x2], $0x4000, $0x38;
	[tilespmem:$0x17000] =	vst v63  }
0xa2: {  	_ =	swait.ge [sflag:s30], $0x4000  }
0xa3: {  	[sflag:s30] =	ssyncset.done $0x0  }
0xa4: {  	s0 =	rddreg [dreg:$0x4];
	[sflag:s30] =	ssyncadd.s32 $0xFFFFC000  }
0xa5: {  	[tilespmem:s28], [sflag:$0x4] =	stream.indirect.gather.add.f32 [hbm:s4], $0x80, s0, s21, $0xb8;
	[tilespmem:$0x17000] =	vst v63  }
0xa6: {  	s16 =	rddreg [dreg:$0x5]  }
0xa7: {  	[tilespmem:s28], [sflag:$0x4] =	stream.indirect.gather.add.f32 [hbm:s5], $0x80, s16, s21, $0xb8;
	[tilespmem:$0x17000] =	vst v63  }
0xa8: {  	s17 =	rddreg [dreg:$0x6]  }
0xa9: {  	[tilespmem:s28], [sflag:$0x4] =	stream.indirect.gather.add.f32 [hbm:s6], $0x80, s17, s21, $0xb8;
	[tilespmem:$0x17000] =	vst v63  }
0xaa: {  	_ =	swait.ge [sflag:s29], $0x4000  }
0xab: {  	[sflag:s29] =	ssyncset.done $0x0  }
0xac: {  	[sflag:s29] =	ssyncadd.s32 $0xFFFFC000  }
0xad: {  	_ =	swait.ge [sflag:s29], $0x4000  }
0xae: {  	[sflag:s29] =	ssyncset.done $0x0  }
0xaf: {  	[sflag:s29] =	ssyncadd.s32 $0xFFFFC000  }
0xb0: {  	_ =	swait.ge [sflag:s29], $0x4000  }
0xb1: {  	[sflag:s29] =	ssyncset.done $0x0  }
0xb2: {  	s18 =	rddreg [dreg:$0x7];
	[sflag:s29] =	ssyncadd.s32 $0xFFFFC000  }
0xb3: {  	[hbm4b:s18+s1] =	stream.linear.scatter [tilespmem:s25], [sflag:$0x3], $0x4000, $0x38;
	[tilespmem:$0x17000] =	vst v63  }
0xb4: {  	_ =	swait.ge [sflag:s30], $0x4000  }
0xb5: {  	[sflag:s30] =	ssyncset.done $0x0  }
0xb6: {  	[sflag:s30] =	ssyncadd.s32 $0xFFFFC000  }
0xb7: {  	_ =	swait.ge [sflag:s30], $0x4000  }
0xb8: {  	[sflag:s30] =	ssyncset.done $0x0  }
0xb9: {  	[sflag:s30] =	ssyncadd.s32 $0xFFFFC000  }
0xba: {  	_ =	swait.ge [sflag:s30], $0x4000  }
0xbb: {  	[sflag:s30] =	ssyncset.done $0x0  }
0xbc: {  	s19 =	rddreg [dreg:$0x8];
	[sflag:s30] =	ssyncadd.s32 $0xFFFFC000  }
0xbd: {  	[hbm4b:s19+s1] =	stream.linear.scatter [tilespmem:s28], [sflag:$0x4], $0x4000, $0x38;
	[tilespmem:$0x17000] =	vst v63  }
0xbe: {  	_ =	swait.ge [sflag:s23], $0x4000  }
0xbf: {  	[sflag:s23] =	ssyncset.done $0x0  }
0xc0: {  	[sflag:s23] =	ssyncadd.s32 $0xFFFFC000  }
0xc1: {  	_ =	swait.ge [sflag:s26], $0x4000  }
0xc2: {  	[sflag:s26] =	ssyncset.done $0x0  }
0xc3: {  	[sflag:s26] =	ssyncadd.s32 $0xFFFFC000  }
0xc4: {  	_ =	swait.ge [sflag:s29], $0x4000  }
0xc5: {  	[sflag:s29] =	ssyncset.done $0x0  }
0xc6: {  	[sflag:s29] =	ssyncadd.s32 $0xFFFFC000  }
0xc7: {  	_ =	swait.ge [sflag:s30], $0x4000  }
0xc8: {  	s31 =	sadd.s32 $0x1, s31;
	s20 =	rddreg [dreg:$0x9]  }
0xc9: {  	p1 =	sne.s32 s31, s20  }
.Ltmp1:
0xca: {  	_ = 	snop;
	(pc) =	sbr.rel @p1 .LBB2_1-.Ltmp1, $3  }
0xcb: {  	_ =	sdelay $0x1  }
0xcc: {  	[sflag:s30] =	ssyncset.done $0x0  }
0xcd: {  	[sflag:s30] =	ssyncadd.s32 $0xFFFFC000  }
0xce: {  	_ =	sfence.sel $0x180000  }
0xcf: {  	[bflag:$0x0] =	sbarrier.arrive $0xFFFF  }
0xd0: {  	_ =	strace $0x90000047  }
0xd1: {  	s0 =	stileid.u32;
	[bflag:$0x2] =	sbarrier.arrive $0xFFFF  }
0xd2: {  	p0 =	sne.s32 s0, $0x0;
	s0 =	rddreg [dreg:$0x1]  }
0xd3: {  	s0 =	sadd.s32 @!p0 $0x100000, s0  }
0xd4: {  	[sflag:s0] =	ssyncadd.tile.s32 @!p0 $0x1;
	_ =	shalt  }
.Lfunc_end2:
_tile_overlayer_lowered:
.L_overlay_start_2:
0xd5: {  	(tag) =	ssettag $0x2  }
0xd6: {  	s0 =	rddreg [dreg:$0x0];
	s2 =	stileid.u32  }
0xd7: {  	s1 =	rddreg [dreg:$0x1];
	p0 =	sne.s32 s2, $0x0  }
0xd8: {  	s3 =	rddreg [dreg:$0x2];
	[bflag:$0x3] =	sbarrier.arrive $0xFFFF;
	s2 =	simm.s32 @!p0 $0x1C05  }
0xd9: {  	[timem:s3], [sflag:s2] =	dma.local @!p0 [hbm:s0], s1  }
0xda: {  	s0 =	simm.s32 @!p0 $0x5  }
0xdb: {  	_ =	swait.ge @!p0 [sflag:s0], s1  }
0xdc: {  	s1 =	ssub.s32 @!p0 $0x0, s1;
	[sflag:s0] =	ssyncset.done @!p0 $0x0  }
0xdd: {  	[sflag:s0] =	ssyncadd.s32 @!p0 s1  }
0xde: {  	[bflag:$0x3] =	sbarrier.arrive $0xFFFF  }
0xdf: {  	_ =	shalt  }

</sc_bundles>
